<compile_context>
chip_gen: v7x
topology: tpu7x:2x2x1
jax: 0.10.2.dev20260603
libtpu: 0.0.44.dev20260713+nightly
codegen_flags: <defaults>
</compile_context>

<pallas_src>
import functools

import jax
import jax.numpy as jnp
from jax import lax
from jax.experimental import pallas as pl
from jax.experimental.pallas import tpu as pltpu
from jax.experimental.pallas import tpu_sc as plsc

_INV_SQRT2 = 0.7071067811865476


def _make_sc_gather(B, D):
    info = plsc.get_sparse_core_info()
    NC, NS = info.num_cores, info.num_subcores
    NW = NC * NS
    b_per_w = B // NW
    mesh = plsc.VectorSubcoreMesh(core_axis_name="c", subcore_axis_name="s")

    @functools.partial(
        pl.kernel, mesh=mesh,
        out_type=jax.ShapeDtypeStruct((B, D), jnp.float32),
        scratch_types=[
            pltpu.VMEM((b_per_w,), jnp.int32),
            pltpu.VMEM((b_per_w, D), jnp.float32),
            pltpu.SemaphoreType.DMA,
        ],
    )
    def gather_rows(table_hbm, idx_hbm, out_hbm, idx_v, rows_v, sem):
        wid = lax.axis_index("s") * NC + lax.axis_index("c")
        base = wid * b_per_w
        pltpu.sync_copy(idx_hbm.at[pl.ds(base, b_per_w)], idx_v)
        pltpu.async_copy(table_hbm.at[idx_v], rows_v, sem).wait()
        pltpu.sync_copy(rows_v, out_hbm.at[pl.ds(base, b_per_w)])

    return gather_rows


def _adapter_body(cid_ref, h_ref, wd_ref, bd_ref, wu_ref, bu_ref, out_ref,
                  wd_s, wu_s, bd_s, *, bd_dim):
    n_e = wd_ref.shape[0]

    @pl.when(pl.program_id(0) == 0)
    def _build_weights():
        for e in range(n_e):
            sl = pl.ds(e * bd_dim, bd_dim)
            wd_s[:, sl] = wd_ref[e].astype(jnp.bfloat16)
            wu_s[sl, :] = wu_ref[e].astype(jnp.bfloat16)
            bd_s[0:1, sl] = bd_ref[pl.ds(e, 1), :]

    hb = h_ref[...]
    cid = jnp.reshape(cid_ref[...], (hb.shape[0], 1))
    h16 = hb.astype(jnp.bfloat16)
    z = jnp.dot(h16, wd_s[...], preferred_element_type=jnp.float32)
    z = z + bd_s[...]
    a = 0.5 * z * (1.0 + lax.erf(z * _INV_SQRT2))
    col_expert = lax.broadcasted_iota(jnp.int32, z.shape, 1) // bd_dim
    am = jnp.where(col_expert == cid, a, 0.0).astype(jnp.bfloat16)
    delta = jnp.dot(am, wu_s[...], preferred_element_type=jnp.float32)
    oh = (lax.broadcasted_iota(jnp.int32, (hb.shape[0], n_e), 1) == cid)
    bu_sel = jnp.dot(oh.astype(jnp.float32), bu_ref[...],
                     preferred_element_type=jnp.float32)
    out_ref[...] = hb + delta + bu_sel


def _tc_adapter(cs, hs, W_down, b_down, W_up, b_up):
    B, D = hs.shape
    E, _, BD = W_down.shape
    BT = 512
    return pl.pallas_call(
        functools.partial(_adapter_body, bd_dim=BD),
        grid=(B // BT,),
        in_specs=[
            pl.BlockSpec((BT,), lambda i: (i,)),
            pl.BlockSpec((BT, D), lambda i: (i, 0)),
            pl.BlockSpec((E, D, BD), lambda i: (0, 0, 0)),
            pl.BlockSpec((E, BD), lambda i: (0, 0)),
            pl.BlockSpec((E, BD, D), lambda i: (0, 0, 0)),
            pl.BlockSpec((E, D), lambda i: (0, 0)),
        ],
        out_specs=pl.BlockSpec((BT, D), lambda i: (i, 0)),
        out_shape=jax.ShapeDtypeStruct((B, D), jnp.float32),
        scratch_shapes=[
            pltpu.VMEM((D, E * BD), jnp.bfloat16),
            pltpu.VMEM((E * BD, D), jnp.bfloat16),
            pltpu.VMEM((1, E * BD), jnp.float32),
        ],
    )(cs, hs, W_down, b_down, W_up, b_up)


def kernel(h, cluster_ids, W_down, b_down, W_up, b_up):
    B, D = h.shape
    order = jnp.argsort(cluster_ids).astype(jnp.int32)
    inv = jnp.argsort(order).astype(jnp.int32)
    cs = cluster_ids[order]
    gather = _make_sc_gather(B, D)
    hs = gather(h, order)
    tmp = _tc_adapter(cs, hs, W_down, b_down, W_up, b_up)
    return gather(tmp, inv)

# --- scband reference (transcript-rebuilt; emitter-appended) ---
"""Pipeline reference for scband-prototype-residual-adapter-46720654246146 (READ-ONLY COPY).

The authoritative reference and input builder live on the scoring server;
editing this copy changes nothing except your own understanding.
"""

import jax, jax.numpy as jnp
import numpy as np

E = 8
D = 1024
BD = 64
B = 2048


def setup_inputs(seed: int = 0) -> dict:
    key = jax.random.key(seed)
    k1, k2, k3, k4 = jax.random.split(key, 4)
    h = jax.random.normal(k1, (B, D), dtype=jnp.float32)
    cluster_ids = jax.random.randint(k2, (B,), 0, E)
    W_down = jax.random.normal(k3, (E, D, BD), dtype=jnp.float32) * 0.02
    b_down = jnp.zeros((E, BD), dtype=jnp.float32)
    W_up = jax.random.normal(k4, (E, BD, D), dtype=jnp.float32) * 0.02
    b_up = jnp.zeros((E, D), dtype=jnp.float32)
    return {
        "h": h,
        "cluster_ids": cluster_ids,
        "W_down": W_down,
        "b_down": b_down,
        "W_up": W_up,
        "b_up": b_up,
    }


def reference(h, cluster_ids, W_down, b_down, W_up, b_up):
    # Cluster-conditioned residual adapter bank.
    # Torch loops over clusters with boolean masks; here we compute each
    # expert's adapter output for all tokens (vmap over experts) and then
    # gather each token's output from its own cluster -- identical math.
    def per_expert(Wd, bd, Wu, bu):
        z = h @ Wd + bd
        a = jax.nn.gelu(z, approximate=False)  # torch nn.GELU default = exact erf
        delta = a @ Wu + bu
        return h + delta

    outs = jax.vmap(per_expert)(W_down, b_down, W_up, b_up)  # (E, B, D)
    out = outs[cluster_ids, jnp.arange(h.shape[0])]  # (B, D)
    return out

if __name__ == "__main__":
    import jax
    _d = setup_inputs()
    print(jax.jit(kernel)(*tuple(_d.values())))

</pallas_src>

<mosaic_0001>
#map = affine_map<(d0, d1) -> (0, 0)>
#map1 = affine_map<(d0, d1) -> (0)>
module attributes {stable_mosaic.version = 14 : i64} {
  func.func @gather_rows(%arg0: i32, %arg1: i32, %arg2: memref<2048x1024xf32, #tpu.memory_space<hbm>>, %arg3: memref<2048xi32, #tpu.memory_space<hbm>>, %arg4: memref<2048x1024xf32, #tpu.memory_space<hbm>>, %arg5: memref<64xi32, #tpu.memory_space<vmem>>, %arg6: memref<64x1024xf32, #tpu.memory_space<vmem>>, %arg7: memref<!tpu.dma_semaphore, #tpu.memory_space<semaphore_mem>>) attributes {dimension_semantics = [#tpu.dimension_semantics<core_parallel>, #tpu.dimension_semantics<subcore_parallel>], iteration_bounds = array<i64: 2, 16>, scalar_prefetch = 0 : i64, scratch_operands = 3 : i64, tpu.core_type = #tpu.core_type<sc_vector_subcore>, window_params = [{transform_indices = #map}, {transform_indices = #map1}, {transform_indices = #map}]} {
    %mul3A = arith.constant 2 : i32
    %mul3A_0 = arith.muli %arg1, %mul3A : i32
    %add3A = arith.addi %mul3A_0, %arg0 : i32
    %mul3A_1 = arith.constant 64 : i32
    %mul3A_2 = arith.muli %add3A, %mul3A_1 : i32
    "tpu.region"() ({
      %run_scoped3A = tpu.sem_alloc : memref<!tpu.dma_semaphore, #tpu.memory_space<semaphore_mem>>
      %dma_start3A_7 = tpu.memref_slice %arg3[%mul3A_2] : memref<2048xi32, #tpu.memory_space<hbm>> -> memref<64xi32, #tpu.memory_space<hbm>>
      %dma_start3A_8 = tpu.memref_slice %arg3[%mul3A_2] : memref<2048xi32, #tpu.memory_space<hbm>> -> memref<64xi32, #tpu.memory_space<hbm>>
      tpu.enqueue_dma source(%dma_start3A_8 : memref<64xi32, #tpu.memory_space<hbm>>) target(%arg5 : memref<64xi32, #tpu.memory_space<vmem>>) target_semaphore(%run_scoped3A : memref<!tpu.dma_semaphore, #tpu.memory_space<semaphore_mem>>)
      %dma_wait3A_9 = tpu.memref_slice %arg3[%mul3A_2] : memref<2048xi32, #tpu.memory_space<hbm>> -> memref<64xi32, #tpu.memory_space<hbm>>
      %dma_wait3A_10 = tpu.memref_slice %arg3[%mul3A_2] : memref<2048xi32, #tpu.memory_space<hbm>> -> memref<64xi32, #tpu.memory_space<hbm>>
      tpu.wait_dma2 semaphore(%run_scoped3A : memref<!tpu.dma_semaphore, #tpu.memory_space<semaphore_mem>>) src(%dma_wait3A_10 : memref<64xi32, #tpu.memory_space<hbm>>) dst(%arg5 : memref<64xi32, #tpu.memory_space<vmem>>)
      tpu.yield
    }) : () -> ()
    %dma_start3A = arith.constant 0 : i32
    %dma_start3A_3 = arith.constant 0 : i32
    %dma_start3A_4 = tpu.memref_slice %arg2[%dma_start3A, %dma_start3A_3] : memref<2048x1024xf32, #tpu.memory_space<hbm>> -> memref<2048x1024xf32, #tpu.memory_space<hbm>>
    tpu.enqueue_indirect_dma source(%dma_start3A_4 : memref<2048x1024xf32, #tpu.memory_space<hbm>>) target(%arg6 : memref<64x1024xf32, #tpu.memory_space<vmem>>) offsets(%arg5 : memref<64xi32, #tpu.memory_space<vmem>>) semaphore(%arg7 : memref<!tpu.dma_semaphore, #tpu.memory_space<semaphore_mem>>)
    %dma_wait3A = arith.constant 0 : i32
    %dma_wait3A_5 = arith.constant 0 : i32
    %dma_wait3A_6 = tpu.memref_slice %arg2[%dma_wait3A, %dma_wait3A_5] : memref<2048x1024xf32, #tpu.memory_space<hbm>> -> memref<2048x1024xf32, #tpu.memory_space<hbm>>
    tpu.wait_indirect_dma semaphore(%arg7 : memref<!tpu.dma_semaphore, #tpu.memory_space<semaphore_mem>>) src(%dma_wait3A_6 : memref<2048x1024xf32, #tpu.memory_space<hbm>>) dst(%arg6 : memref<64x1024xf32, #tpu.memory_space<vmem>>)
    "tpu.region"() ({
      %run_scoped3A = tpu.sem_alloc : memref<!tpu.dma_semaphore, #tpu.memory_space<semaphore_mem>>
      %dma_start3A_7 = arith.constant 0 : i32
      %dma_start3A_8 = tpu.memref_slice %arg4[%mul3A_2, %dma_start3A_7] : memref<2048x1024xf32, #tpu.memory_space<hbm>> -> memref<64x1024xf32, #tpu.memory_space<hbm>>
      %dma_start3A_9 = arith.constant 0 : i32
      %dma_start3A_10 = tpu.memref_slice %arg4[%mul3A_2, %dma_start3A_9] : memref<2048x1024xf32, #tpu.memory_space<hbm>> -> memref<64x1024xf32, #tpu.memory_space<hbm>>
      tpu.enqueue_dma source(%arg6 : memref<64x1024xf32, #tpu.memory_space<vmem>>) target(%dma_start3A_10 : memref<64x1024xf32, #tpu.memory_space<hbm>>) target_semaphore(%run_scoped3A : memref<!tpu.dma_semaphore, #tpu.memory_space<semaphore_mem>>)
      %dma_wait3A_11 = arith.constant 0 : i32
      %dma_wait3A_12 = tpu.memref_slice %arg4[%mul3A_2, %dma_wait3A_11] : memref<2048x1024xf32, #tpu.memory_space<hbm>> -> memref<64x1024xf32, #tpu.memory_space<hbm>>
      %dma_wait3A_13 = arith.constant 0 : i32
      %dma_wait3A_14 = tpu.memref_slice %arg4[%mul3A_2, %dma_wait3A_13] : memref<2048x1024xf32, #tpu.memory_space<hbm>> -> memref<64x1024xf32, #tpu.memory_space<hbm>>
      tpu.wait_dma2 semaphore(%run_scoped3A : memref<!tpu.dma_semaphore, #tpu.memory_space<semaphore_mem>>) src(%arg6 : memref<64x1024xf32, #tpu.memory_space<vmem>>) dst(%dma_wait3A_14 : memref<64x1024xf32, #tpu.memory_space<hbm>>)
      tpu.yield
    }) : () -> ()
    return
  }
}

#map = affine_map<(d0, d1) -> (0, 0)>
#map1 = affine_map<(d0, d1) -> (0)>
module attributes {stable_mosaic.version = 14 : i64} {
  func.func @gather_rows(%arg0: i32, %arg1: i32, %arg2: memref<2048x1024xf32, #tpu.memory_space<hbm>>, %arg3: memref<2048xi32, #tpu.memory_space<hbm>>, %arg4: memref<2048x1024xf32, #tpu.memory_space<hbm>>, %arg5: memref<64xi32, #tpu.memory_space<vmem>>, %arg6: memref<64x1024xf32, #tpu.memory_space<vmem>>, %arg7: memref<!tpu.dma_semaphore, #tpu.memory_space<semaphore_mem>>) attributes {dimension_semantics = [#tpu.dimension_semantics<core_parallel>, #tpu.dimension_semantics<subcore_parallel>], iteration_bounds = array<i64: 2, 16>, scalar_prefetch = 0 : i64, scratch_operands = 3 : i64, tpu.core_type = #tpu.core_type<sc_vector_subcore>, window_params = [{transform_indices = #map}, {transform_indices = #map1}, {transform_indices = #map}]} {
    %mul3A = arith.constant 2 : i32
    %mul3A_0 = arith.muli %arg1, %mul3A : i32
    %add3A = arith.addi %mul3A_0, %arg0 : i32
    %mul3A_1 = arith.constant 64 : i32
    %mul3A_2 = arith.muli %add3A, %mul3A_1 : i32
    "tpu.region"() ({
      %run_scoped3A = tpu.sem_alloc : memref<!tpu.dma_semaphore, #tpu.memory_space<semaphore_mem>>
      %dma_start3A_7 = tpu.memref_slice %arg3[%mul3A_2] : memref<2048xi32, #tpu.memory_space<hbm>> -> memref<64xi32, #tpu.memory_space<hbm>>
      %dma_start3A_8 = tpu.memref_slice %arg3[%mul3A_2] : memref<2048xi32, #tpu.memory_space<hbm>> -> memref<64xi32, #tpu.memory_space<hbm>>
      tpu.enqueue_dma source(%dma_start3A_8 : memref<64xi32, #tpu.memory_space<hbm>>) target(%arg5 : memref<64xi32, #tpu.memory_space<vmem>>) target_semaphore(%run_scoped3A : memref<!tpu.dma_semaphore, #tpu.memory_space<semaphore_mem>>)
      %dma_wait3A_9 = tpu.memref_slice %arg3[%mul3A_2] : memref<2048xi32, #tpu.memory_space<hbm>> -> memref<64xi32, #tpu.memory_space<hbm>>
      %dma_wait3A_10 = tpu.memref_slice %arg3[%mul3A_2] : memref<2048xi32, #tpu.memory_space<hbm>> -> memref<64xi32, #tpu.memory_space<hbm>>
      tpu.wait_dma2 semaphore(%run_scoped3A : memref<!tpu.dma_semaphore, #tpu.memory_space<semaphore_mem>>) src(%dma_wait3A_10 : memref<64xi32, #tpu.memory_space<hbm>>) dst(%arg5 : memref<64xi32, #tpu.memory_space<vmem>>)
      tpu.yield
    }) : () -> ()
    %dma_start3A = arith.constant 0 : i32
    %dma_start3A_3 = arith.constant 0 : i32
    %dma_start3A_4 = tpu.memref_slice %arg2[%dma_start3A, %dma_start3A_3] : memref<2048x1024xf32, #tpu.memory_space<hbm>> -> memref<2048x1024xf32, #tpu.memory_space<hbm>>
    tpu.enqueue_indirect_dma source(%dma_start3A_4 : memref<2048x1024xf32, #tpu.memory_space<hbm>>) target(%arg6 : memref<64x1024xf32, #tpu.memory_space<vmem>>) offsets(%arg5 : memref<64xi32, #tpu.memory_space<vmem>>) semaphore(%arg7 : memref<!tpu.dma_semaphore, #tpu.memory_space<semaphore_mem>>)
    %dma_wait3A = arith.constant 0 : i32
    %dma_wait3A_5 = arith.constant 0 : i32
    %dma_wait3A_6 = tpu.memref_slice %arg2[%dma_wait3A, %dma_wait3A_5] : memref<2048x1024xf32, #tpu.memory_space<hbm>> -> memref<2048x1024xf32, #tpu.memory_space<hbm>>
    tpu.wait_indirect_dma semaphore(%arg7 : memref<!tpu.dma_semaphore, #tpu.memory_space<semaphore_mem>>) src(%dma_wait3A_6 : memref<2048x1024xf32, #tpu.memory_space<hbm>>) dst(%arg6 : memref<64x1024xf32, #tpu.memory_space<vmem>>)
    "tpu.region"() ({
      %run_scoped3A = tpu.sem_alloc : memref<!tpu.dma_semaphore, #tpu.memory_space<semaphore_mem>>
      %dma_start3A_7 = arith.constant 0 : i32
      %dma_start3A_8 = tpu.memref_slice %arg4[%mul3A_2, %dma_start3A_7] : memref<2048x1024xf32, #tpu.memory_space<hbm>> -> memref<64x1024xf32, #tpu.memory_space<hbm>>
      %dma_start3A_9 = arith.constant 0 : i32
      %dma_start3A_10 = tpu.memref_slice %arg4[%mul3A_2, %dma_start3A_9] : memref<2048x1024xf32, #tpu.memory_space<hbm>> -> memref<64x1024xf32, #tpu.memory_space<hbm>>
      tpu.enqueue_dma source(%arg6 : memref<64x1024xf32, #tpu.memory_space<vmem>>) target(%dma_start3A_10 : memref<64x1024xf32, #tpu.memory_space<hbm>>) target_semaphore(%run_scoped3A : memref<!tpu.dma_semaphore, #tpu.memory_space<semaphore_mem>>)
      %dma_wait3A_11 = arith.constant 0 : i32
      %dma_wait3A_12 = tpu.memref_slice %arg4[%mul3A_2, %dma_wait3A_11] : memref<2048x1024xf32, #tpu.memory_space<hbm>> -> memref<64x1024xf32, #tpu.memory_space<hbm>>
      %dma_wait3A_13 = arith.constant 0 : i32
      %dma_wait3A_14 = tpu.memref_slice %arg4[%mul3A_2, %dma_wait3A_13] : memref<2048x1024xf32, #tpu.memory_space<hbm>> -> memref<64x1024xf32, #tpu.memory_space<hbm>>
      tpu.wait_dma2 semaphore(%run_scoped3A : memref<!tpu.dma_semaphore, #tpu.memory_space<semaphore_mem>>) src(%arg6 : memref<64x1024xf32, #tpu.memory_space<vmem>>) dst(%dma_wait3A_14 : memref<64x1024xf32, #tpu.memory_space<hbm>>)
      tpu.yield
    }) : () -> ()
    return
  }
}

module attributes {stable_mosaic.version = 14 : i64} {
  func.func @_adapter_body(%arg0: i32, %arg1: memref<512xi32, #tpu.memory_space<vmem>>, %arg2: memref<512x1024xf32, #tpu.memory_space<vmem>>, %arg3: memref<8x1024x64xf32, #tpu.memory_space<vmem>>, %arg4: memref<8x64xf32, #tpu.memory_space<vmem>>, %arg5: memref<8x64x1024xf32, #tpu.memory_space<vmem>>, %arg6: memref<8x1024xf32, #tpu.memory_space<vmem>>, %arg7: memref<512x1024xf32, #tpu.memory_space<vmem>>, %arg8: memref<1024x512xbf16, #tpu.memory_space<vmem>>, %arg9: memref<512x1024xbf16, #tpu.memory_space<vmem>>, %arg10: memref<1x512xf32, #tpu.memory_space<vmem>>) attributes {dimension_semantics = [#tpu.dimension_semantics<arbitrary>], iteration_bounds = array<i64: 4>, scalar_prefetch = 0 : i64, scratch_operands = 3 : i64, tpu.core_type = #tpu.core_type<tc>, window_params = [{transform_indices = @transform_0, window_bounds = array<i64: 512>}, {transform_indices = @transform_1, window_bounds = array<i64: 512, 1024>}, {pipeline_mode = #tpu.pipeline_mode<synchronous>, transform_indices = @transform_2, window_bounds = array<i64: 8, 1024, 64>}, {pipeline_mode = #tpu.pipeline_mode<synchronous>, transform_indices = @transform_3, window_bounds = array<i64: 8, 64>}, {pipeline_mode = #tpu.pipeline_mode<synchronous>, transform_indices = @transform_4, window_bounds = array<i64: 8, 64, 1024>}, {pipeline_mode = #tpu.pipeline_mode<synchronous>, transform_indices = @transform_5, window_bounds = array<i64: 8, 1024>}, {transform_indices = @transform_6, window_bounds = array<i64: 512, 1024>}]} {
    %eq3A = arith.constant 0 : i32
    %eq3A_0 = arith.cmpi eq, %arg0, %eq3A : i32
    %convert_element_type3A = arith.extui %eq3A_0 : i1 to i32
    %cond3A = arith.constant 0 : i32
    %cond3A_1 = arith.cmpi ne, %convert_element_type3A, %cond3A : i32
    scf.if %cond3A_1 {
      %get3A_71 = arith.constant 0 : index
      %get3A_72 = arith.constant 0 : index
      %get3A_73 = arith.constant 0 : index
      %get3A_74 = vector.load %arg3[%get3A_71, %get3A_72, %get3A_73] : memref<8x1024x64xf32, #tpu.memory_space<vmem>>, vector<1x1024x64xf32>
      %get3A_75 = vector.shape_cast %get3A_74 : vector<1x1024x64xf32> to vector<1024x64xf32>
      %convert_element_type3A_76 = arith.truncf %get3A_75 : vector<1024x64xf32> to vector<1024x64xbf16>
      %swap3A_77 = arith.constant 0 : index
      %swap3A_78 = arith.constant 0 : index
      %swap3A_79 = vector.load %arg8[%swap3A_77, %swap3A_78] : memref<1024x512xbf16, #tpu.memory_space<vmem>>, vector<1024x64xbf16>
      tpu.vector_store %arg8[%swap3A_77, %swap3A_78], %convert_element_type3A_76 {strides = array<i32>} : memref<1024x512xbf16, #tpu.memory_space<vmem>>, vector<1024x64xbf16>,
      %get3A_80 = arith.constant 0 : index
      %get3A_81 = arith.constant 0 : index
      %get3A_82 = arith.constant 0 : index
      %get3A_83 = vector.load %arg5[%get3A_80, %get3A_81, %get3A_82] : memref<8x64x1024xf32, #tpu.memory_space<vmem>>, vector<1x64x1024xf32>
      %get3A_84 = vector.shape_cast %get3A_83 : vector<1x64x1024xf32> to vector<64x1024xf32>
      %convert_element_type3A_85 = arith.truncf %get3A_84 : vector<64x1024xf32> to vector<64x1024xbf16>
      %swap3A_86 = arith.constant 0 : index
      %swap3A_87 = arith.constant 0 : index
      %swap3A_88 = vector.load %arg9[%swap3A_86, %swap3A_87] : memref<512x1024xbf16, #tpu.memory_space<vmem>>, vector<64x1024xbf16>
      tpu.vector_store %arg9[%swap3A_86, %swap3A_87], %convert_element_type3A_85 {strides = array<i32>} : memref<512x1024xbf16, #tpu.memory_space<vmem>>, vector<64x1024xbf16>,
      %get3A_89 = arith.constant 0 : index
      %get3A_90 = arith.constant 0 : index
      %get3A_91 = vector.load %arg4[%get3A_89, %get3A_90] : memref<8x64xf32, #tpu.memory_space<vmem>>, vector<1x64xf32>
      %swap3A_92 = arith.constant 0 : index
      %swap3A_93 = arith.constant 0 : index
      %swap3A_94 = vector.load %arg10[%swap3A_92, %swap3A_93] : memref<1x512xf32, #tpu.memory_space<vmem>>, vector<1x64xf32>
      tpu.vector_store %arg10[%swap3A_92, %swap3A_93], %get3A_91 {strides = array<i32>} : memref<1x512xf32, #tpu.memory_space<vmem>>, vector<1x64xf32>,
      %get3A_95 = arith.constant 1 : index
      %get3A_96 = arith.constant 0 : index
      %get3A_97 = arith.constant 0 : index
      %get3A_98 = vector.load %arg3[%get3A_95, %get3A_96, %get3A_97] : memref<8x1024x64xf32, #tpu.memory_space<vmem>>, vector<1x1024x64xf32>
      %get3A_99 = vector.shape_cast %get3A_98 : vector<1x1024x64xf32> to vector<1024x64xf32>
      %convert_element_type3A_100 = arith.truncf %get3A_99 : vector<1024x64xf32> to vector<1024x64xbf16>
      %swap3A_101 = arith.constant 0 : index
      %swap3A_102 = arith.constant 64 : index
      %swap3A_103 = vector.load %arg8[%swap3A_101, %swap3A_102] : memref<1024x512xbf16, #tpu.memory_space<vmem>>, vector<1024x64xbf16>
      tpu.vector_store %arg8[%swap3A_101, %swap3A_102], %convert_element_type3A_100 {strides = array<i32>} : memref<1024x512xbf16, #tpu.memory_space<vmem>>, vector<1024x64xbf16>,
      %get3A_104 = arith.constant 1 : index
      %get3A_105 = arith.constant 0 : index
      %get3A_106 = arith.constant 0 : index
      %get3A_107 = vector.load %arg5[%get3A_104, %get3A_105, %get3A_106] : memref<8x64x1024xf32, #tpu.memory_space<vmem>>, vector<1x64x1024xf32>
      %get3A_108 = vector.shape_cast %get3A_107 : vector<1x64x1024xf32> to vector<64x1024xf32>
      %convert_element_type3A_109 = arith.truncf %get3A_108 : vector<64x1024xf32> to vector<64x1024xbf16>
      %swap3A_110 = arith.constant 64 : index
      %swap3A_111 = arith.constant 0 : index
      %swap3A_112 = vector.load %arg9[%swap3A_110, %swap3A_111] : memref<512x1024xbf16, #tpu.memory_space<vmem>>, vector<64x1024xbf16>
      tpu.vector_store %arg9[%swap3A_110, %swap3A_111], %convert_element_type3A_109 {strides = array<i32>} : memref<512x1024xbf16, #tpu.memory_space<vmem>>, vector<64x1024xbf16>,
      %get3A_113 = arith.constant 1 : index
      %get3A_114 = arith.constant 0 : index
      %get3A_115 = vector.load %arg4[%get3A_113, %get3A_114] : memref<8x64xf32, #tpu.memory_space<vmem>>, vector<1x64xf32>
      %swap3A_116 = arith.constant 0 : index
      %swap3A_117 = arith.constant 64 : index
      %swap3A_118 = vector.load %arg10[%swap3A_116, %swap3A_117] : memref<1x512xf32, #tpu.memory_space<vmem>>, vector<1x64xf32>
      tpu.vector_store %arg10[%swap3A_116, %swap3A_117], %get3A_115 {strides = array<i32>} : memref<1x512xf32, #tpu.memory_space<vmem>>, vector<1x64xf32>,
      %get3A_119 = arith.constant 2 : index
      %get3A_120 = arith.constant 0 : index
      %get3A_121 = arith.constant 0 : index
      %get3A_122 = vector.load %arg3[%get3A_119, %get3A_120, %get3A_121] : memref<8x1024x64xf32, #tpu.memory_space<vmem>>, vector<1x1024x64xf32>
      %get3A_123 = vector.shape_cast %get3A_122 : vector<1x1024x64xf32> to vector<1024x64xf32>
      %convert_element_type3A_124 = arith.truncf %get3A_123 : vector<1024x64xf32> to vector<1024x64xbf16>
      %swap3A_125 = arith.constant 0 : index
      %swap3A_126 = arith.constant 128 : index
      %swap3A_127 = vector.load %arg8[%swap3A_125, %swap3A_126] : memref<1024x512xbf16, #tpu.memory_space<vmem>>, vector<1024x64xbf16>
      tpu.vector_store %arg8[%swap3A_125, %swap3A_126], %convert_element_type3A_124 {strides = array<i32>} : memref<1024x512xbf16, #tpu.memory_space<vmem>>, vector<1024x64xbf16>,
      %get3A_128 = arith.constant 2 : index
      %get3A_129 = arith.constant 0 : index
      %get3A_130 = arith.constant 0 : index
      %get3A_131 = vector.load %arg5[%get3A_128, %get3A_129, %get3A_130] : memref<8x64x1024xf32, #tpu.memory_space<vmem>>, vector<1x64x1024xf32>
      %get3A_132 = vector.shape_cast %get3A_131 : vector<1x64x1024xf32> to vector<64x1024xf32>
      %convert_element_type3A_133 = arith.truncf %get3A_132 : vector<64x1024xf32> to vector<64x1024xbf16>
      %swap3A_134 = arith.constant 128 : index
      %swap3A_135 = arith.constant 0 : index
      %swap3A_136 = vector.load %arg9[%swap3A_134, %swap3A_135] : memref<512x1024xbf16, #tpu.memory_space<vmem>>, vector<64x1024xbf16>
      tpu.vector_store %arg9[%swap3A_134, %swap3A_135], %convert_element_type3A_133 {strides = array<i32>} : memref<512x1024xbf16, #tpu.memory_space<vmem>>, vector<64x1024xbf16>,
      %get3A_137 = arith.constant 2 : index
      %get3A_138 = arith.constant 0 : index
      %get3A_139 = vector.load %arg4[%get3A_137, %get3A_138] : memref<8x64xf32, #tpu.memory_space<vmem>>, vector<1x64xf32>
      %swap3A_140 = arith.constant 0 : index
      %swap3A_141 = arith.constant 128 : index
      %swap3A_142 = vector.load %arg10[%swap3A_140, %swap3A_141] : memref<1x512xf32, #tpu.memory_space<vmem>>, vector<1x64xf32>
      tpu.vector_store %arg10[%swap3A_140, %swap3A_141], %get3A_139 {strides = array<i32>} : memref<1x512xf32, #tpu.memory_space<vmem>>, vector<1x64xf32>,
      %get3A_143 = arith.constant 3 : index
      %get3A_144 = arith.constant 0 : index
      %get3A_145 = arith.constant 0 : index
      %get3A_146 = vector.load %arg3[%get3A_143, %get3A_144, %get3A_145] : memref<8x1024x64xf32, #tpu.memory_space<vmem>>, vector<1x1024x64xf32>
      %get3A_147 = vector.shape_cast %get3A_146 : vector<1x1024x64xf32> to vector<1024x64xf32>
      %convert_element_type3A_148 = arith.truncf %get3A_147 : vector<1024x64xf32> to vector<1024x64xbf16>
      %swap3A_149 = arith.constant 0 : index
      %swap3A_150 = arith.constant 192 : index
      %swap3A_151 = vector.load %arg8[%swap3A_149, %swap3A_150] : memref<1024x512xbf16, #tpu.memory_space<vmem>>, vector<1024x64xbf16>
      tpu.vector_store %arg8[%swap3A_149, %swap3A_150], %convert_element_type3A_148 {strides = array<i32>} : memref<1024x512xbf16, #tpu.memory_space<vmem>>, vector<1024x64xbf16>,
      %get3A_152 = arith.constant 3 : index
      %get3A_153 = arith.constant 0 : index
      %get3A_154 = arith.constant 0 : index
      %get3A_155 = vector.load %arg5[%get3A_152, %get3A_153, %get3A_154] : memref<8x64x1024xf32, #tpu.memory_space<vmem>>, vector<1x64x1024xf32>
      %get3A_156 = vector.shape_cast %get3A_155 : vector<1x64x1024xf32> to vector<64x1024xf32>
      %convert_element_type3A_157 = arith.truncf %get3A_156 : vector<64x1024xf32> to vector<64x1024xbf16>
      %swap3A_158 = arith.constant 192 : index
      %swap3A_159 = arith.constant 0 : index
      %swap3A_160 = vector.load %arg9[%swap3A_158, %swap3A_159] : memref<512x1024xbf16, #tpu.memory_space<vmem>>, vector<64x1024xbf16>
      tpu.vector_store %arg9[%swap3A_158, %swap3A_159], %convert_element_type3A_157 {strides = array<i32>} : memref<512x1024xbf16, #tpu.memory_space<vmem>>, vector<64x1024xbf16>,
      %get3A_161 = arith.constant 3 : index
      %get3A_162 = arith.constant 0 : index
      %get3A_163 = vector.load %arg4[%get3A_161, %get3A_162] : memref<8x64xf32, #tpu.memory_space<vmem>>, vector<1x64xf32>
      %swap3A_164 = arith.constant 0 : index
      %swap3A_165 = arith.constant 192 : index
      %swap3A_166 = vector.load %arg10[%swap3A_164, %swap3A_165] : memref<1x512xf32, #tpu.memory_space<vmem>>, vector<1x64xf32>
      tpu.vector_store %arg10[%swap3A_164, %swap3A_165], %get3A_163 {strides = array<i32>} : memref<1x512xf32, #tpu.memory_space<vmem>>, vector<1x64xf32>,
      %get3A_167 = arith.constant 4 : index
      %get3A_168 = arith.constant 0 : index
      %get3A_169 = arith.constant 0 : index
      %get3A_170 = vector.load %arg3[%get3A_167, %get3A_168, %get3A_169] : memref<8x1024x64xf32, #tpu.memory_space<vmem>>, vector<1x1024x64xf32>
      %get3A_171 = vector.shape_cast %get3A_170 : vector<1x1024x64xf32> to vector<1024x64xf32>
      %convert_element_type3A_172 = arith.truncf %get3A_171 : vector<1024x64xf32> to vector<1024x64xbf16>
      %swap3A_173 = arith.constant 0 : index
      %swap3A_174 = arith.constant 256 : index
      %swap3A_175 = vector.load %arg8[%swap3A_173, %swap3A_174] : memref<1024x512xbf16, #tpu.memory_space<vmem>>, vector<1024x64xbf16>
      tpu.vector_store %arg8[%swap3A_173, %swap3A_174], %convert_element_type3A_172 {strides = array<i32>} : memref<1024x512xbf16, #tpu.memory_space<vmem>>, vector<1024x64xbf16>,
      %get3A_176 = arith.constant 4 : index
      %get3A_177 = arith.constant 0 : index
      %get3A_178 = arith.constant 0 : index
      %get3A_179 = vector.load %arg5[%get3A_176, %get3A_177, %get3A_178] : memref<8x64x1024xf32, #tpu.memory_space<vmem>>, vector<1x64x1024xf32>
      %get3A_180 = vector.shape_cast %get3A_179 : vector<1x64x1024xf32> to vector<64x1024xf32>
      %convert_element_type3A_181 = arith.truncf %get3A_180 : vector<64x1024xf32> to vector<64x1024xbf16>
      %swap3A_182 = arith.constant 256 : index
      %swap3A_183 = arith.constant 0 : index
      %swap3A_184 = vector.load %arg9[%swap3A_182, %swap3A_183] : memref<512x1024xbf16, #tpu.memory_space<vmem>>, vector<64x1024xbf16>
      tpu.vector_store %arg9[%swap3A_182, %swap3A_183], %convert_element_type3A_181 {strides = array<i32>} : memref<512x1024xbf16, #tpu.memory_space<vmem>>, vector<64x1024xbf16>,
      %get3A_185 = arith.constant 4 : index
      %get3A_186 = arith.constant 0 : index
      %get3A_187 = vector.load %arg4[%get3A_185, %get3A_186] : memref<8x64xf32, #tpu.memory_space<vmem>>, vector<1x64xf32>
      %swap3A_188 = arith.constant 0 : index
      %swap3A_189 = arith.constant 256 : index
      %swap3A_190 = vector.load %arg10[%swap3A_188, %swap3A_189] : memref<1x512xf32, #tpu.memory_space<vmem>>, vector<1x64xf32>
      tpu.vector_store %arg10[%swap3A_188, %swap3A_189], %get3A_187 {strides = array<i32>} : memref<1x512xf32, #tpu.memory_space<vmem>>, vector<1x64xf32>,
      %get3A_191 = arith.constant 5 : index
      %get3A_192 = arith.constant 0 : index
      %get3A_193 = arith.constant 0 : index
      %get3A_194 = vector.load %arg3[%get3A_191, %get3A_192, %get3A_193] : memref<8x1024x64xf32, #tpu.memory_space<vmem>>, vector<1x1024x64xf32>
      %get3A_195 = vector.shape_cast %get3A_194 : vector<1x1024x64xf32> to vector<1024x64xf32>
      %convert_element_type3A_196 = arith.truncf %get3A_195 : vector<1024x64xf32> to vector<1024x64xbf16>
      %swap3A_197 = arith.constant 0 : index
      %swap3A_198 = arith.constant 320 : index
      %swap3A_199 = vector.load %arg8[%swap3A_197, %swap3A_198] : memref<1024x512xbf16, #tpu.memory_space<vmem>>, vector<1024x64xbf16>
      tpu.vector_store %arg8[%swap3A_197, %swap3A_198], %convert_element_type3A_196 {strides = array<i32>} : memref<1024x512xbf16, #tpu.memory_space<vmem>>, vector<1024x64xbf16>,
      %get3A_200 = arith.constant 5 : index
      %get3A_201 = arith.constant 0 : index
      %get3A_202 = arith.constant 0 : index
      %get3A_203 = vector.load %arg5[%get3A_200, %get3A_201, %get3A_202] : memref<8x64x1024xf32, #tpu.memory_space<vmem>>, vector<1x64x1024xf32>
      %get3A_204 = vector.shape_cast %get3A_203 : vector<1x64x1024xf32> to vector<64x1024xf32>
      %convert_element_type3A_205 = arith.truncf %get3A_204 : vector<64x1024xf32> to vector<64x1024xbf16>
      %swap3A_206 = arith.constant 320 : index
      %swap3A_207 = arith.constant 0 : index
      %swap3A_208 = vector.load %arg9[%swap3A_206, %swap3A_207] : memref<512x1024xbf16, #tpu.memory_space<vmem>>, vector<64x1024xbf16>
      tpu.vector_store %arg9[%swap3A_206, %swap3A_207], %convert_element_type3A_205 {strides = array<i32>} : memref<512x1024xbf16, #tpu.memory_space<vmem>>, vector<64x1024xbf16>,
      %get3A_209 = arith.constant 5 : index
      %get3A_210 = arith.constant 0 : index
      %get3A_211 = vector.load %arg4[%get3A_209, %get3A_210] : memref<8x64xf32, #tpu.memory_space<vmem>>, vector<1x64xf32>
      %swap3A_212 = arith.constant 0 : index
      %swap3A_213 = arith.constant 320 : index
      %swap3A_214 = vector.load %arg10[%swap3A_212, %swap3A_213] : memref<1x512xf32, #tpu.memory_space<vmem>>, vector<1x64xf32>
      tpu.vector_store %arg10[%swap3A_212, %swap3A_213], %get3A_211 {strides = array<i32>} : memref<1x512xf32, #tpu.memory_space<vmem>>, vector<1x64xf32>,
      %get3A_215 = arith.constant 6 : index
      %get3A_216 = arith.constant 0 : index
      %get3A_217 = arith.constant 0 : index
      %get3A_218 = vector.load %arg3[%get3A_215, %get3A_216, %get3A_217] : memref<8x1024x64xf32, #tpu.memory_space<vmem>>, vector<1x1024x64xf32>
      %get3A_219 = vector.shape_cast %get3A_218 : vector<1x1024x64xf32> to vector<1024x64xf32>
      %convert_element_type3A_220 = arith.truncf %get3A_219 : vector<1024x64xf32> to vector<1024x64xbf16>
      %swap3A_221 = arith.constant 0 : index
      %swap3A_222 = arith.constant 384 : index
      %swap3A_223 = vector.load %arg8[%swap3A_221, %swap3A_222] : memref<1024x512xbf16, #tpu.memory_space<vmem>>, vector<1024x64xbf16>
      tpu.vector_store %arg8[%swap3A_221, %swap3A_222], %convert_element_type3A_220 {strides = array<i32>} : memref<1024x512xbf16, #tpu.memory_space<vmem>>, vector<1024x64xbf16>,
      %get3A_224 = arith.constant 6 : index
      %get3A_225 = arith.constant 0 : index
      %get3A_226 = arith.constant 0 : index
      %get3A_227 = vector.load %arg5[%get3A_224, %get3A_225, %get3A_226] : memref<8x64x1024xf32, #tpu.memory_space<vmem>>, vector<1x64x1024xf32>
      %get3A_228 = vector.shape_cast %get3A_227 : vector<1x64x1024xf32> to vector<64x1024xf32>
      %convert_element_type3A_229 = arith.truncf %get3A_228 : vector<64x1024xf32> to vector<64x1024xbf16>
      %swap3A_230 = arith.constant 384 : index
      %swap3A_231 = arith.constant 0 : index
      %swap3A_232 = vector.load %arg9[%swap3A_230, %swap3A_231] : memref<512x1024xbf16, #tpu.memory_space<vmem>>, vector<64x1024xbf16>
      tpu.vector_store %arg9[%swap3A_230, %swap3A_231], %convert_element_type3A_229 {strides = array<i32>} : memref<512x1024xbf16, #tpu.memory_space<vmem>>, vector<64x1024xbf16>,
      %get3A_233 = arith.constant 6 : index
      %get3A_234 = arith.constant 0 : index
      %get3A_235 = vector.load %arg4[%get3A_233, %get3A_234] : memref<8x64xf32, #tpu.memory_space<vmem>>, vector<1x64xf32>
      %swap3A_236 = arith.constant 0 : index
      %swap3A_237 = arith.constant 384 : index
      %swap3A_238 = vector.load %arg10[%swap3A_236, %swap3A_237] : memref<1x512xf32, #tpu.memory_space<vmem>>, vector<1x64xf32>
      tpu.vector_store %arg10[%swap3A_236, %swap3A_237], %get3A_235 {strides = array<i32>} : memref<1x512xf32, #tpu.memory_space<vmem>>, vector<1x64xf32>,
      %get3A_239 = arith.constant 7 : index
      %get3A_240 = arith.constant 0 : index
      %get3A_241 = arith.constant 0 : index
      %get3A_242 = vector.load %arg3[%get3A_239, %get3A_240, %get3A_241] : memref<8x1024x64xf32, #tpu.memory_space<vmem>>, vector<1x1024x64xf32>
      %get3A_243 = vector.shape_cast %get3A_242 : vector<1x1024x64xf32> to vector<1024x64xf32>
      %convert_element_type3A_244 = arith.truncf %get3A_243 : vector<1024x64xf32> to vector<1024x64xbf16>
      %swap3A_245 = arith.constant 0 : index
      %swap3A_246 = arith.constant 448 : index
      %swap3A_247 = vector.load %arg8[%swap3A_245, %swap3A_246] : memref<1024x512xbf16, #tpu.memory_space<vmem>>, vector<1024x64xbf16>
      tpu.vector_store %arg8[%swap3A_245, %swap3A_246], %convert_element_type3A_244 {strides = array<i32>} : memref<1024x512xbf16, #tpu.memory_space<vmem>>, vector<1024x64xbf16>,
      %get3A_248 = arith.constant 7 : index
      %get3A_249 = arith.constant 0 : index
      %get3A_250 = arith.constant 0 : index
      %get3A_251 = vector.load %arg5[%get3A_248, %get3A_249, %get3A_250] : memref<8x64x1024xf32, #tpu.memory_space<vmem>>, vector<1x64x1024xf32>
      %get3A_252 = vector.shape_cast %get3A_251 : vector<1x64x1024xf32> to vector<64x1024xf32>
      %convert_element_type3A_253 = arith.truncf %get3A_252 : vector<64x1024xf32> to vector<64x1024xbf16>
      %swap3A_254 = arith.constant 448 : index
      %swap3A_255 = arith.constant 0 : index
      %swap3A_256 = vector.load %arg9[%swap3A_254, %swap3A_255] : memref<512x1024xbf16, #tpu.memory_space<vmem>>, vector<64x1024xbf16>
      tpu.vector_store %arg9[%swap3A_254, %swap3A_255], %convert_element_type3A_253 {strides = array<i32>} : memref<512x1024xbf16, #tpu.memory_space<vmem>>, vector<64x1024xbf16>,
      %get3A_257 = arith.constant 7 : index
      %get3A_258 = arith.constant 0 : index
      %get3A_259 = vector.load %arg4[%get3A_257, %get3A_258] : memref<8x64xf32, #tpu.memory_space<vmem>>, vector<1x64xf32>
      %swap3A_260 = arith.constant 0 : index
      %swap3A_261 = arith.constant 448 : index
      %swap3A_262 = vector.load %arg10[%swap3A_260, %swap3A_261] : memref<1x512xf32, #tpu.memory_space<vmem>>, vector<1x64xf32>
      tpu.vector_store %arg10[%swap3A_260, %swap3A_261], %get3A_259 {strides = array<i32>} : memref<1x512xf32, #tpu.memory_space<vmem>>, vector<1x64xf32>,
    } else {
    }
    %get3A = arith.constant 0 : index
    %get3A_2 = arith.constant 0 : index
    %get3A_3 = vector.load %arg2[%get3A, %get3A_2] : memref<512x1024xf32, #tpu.memory_space<vmem>>, vector<512x1024xf32>
    %get3A_4 = arith.constant 0 : index
    %get3A_5 = vector.load %arg1[%get3A_4] : memref<512xi32, #tpu.memory_space<vmem>>, vector<512xi32>
    %reshape3A = vector.shape_cast %get3A_5 : vector<512xi32> to vector<512x1xi32>
    %convert_element_type3A_6 = arith.truncf %get3A_3 : vector<512x1024xf32> to vector<512x1024xbf16>
    %get3A_7 = arith.constant 0 : index
    %get3A_8 = arith.constant 0 : index
    %get3A_9 = vector.load %arg8[%get3A_7, %get3A_8] : memref<1024x512xbf16, #tpu.memory_space<vmem>>, vector<1024x512xbf16>
    %dot_general3A = arith.constant dense<0.000000e+00> : vector<512x512xf32>
    %dot_general3A_10 = tpu.matmul %convert_element_type3A_6, %get3A_9, %dot_general3A {dimension_numbers = #tpu.dot_dimension_numbers<[1], [0], [0], [1], [0, 0, 1, 1], [], []>, transpose_lhs_hint = false} : vector<512x1024xbf16>, vector<1024x512xbf16>, vector<512x512xf32> -> vector<512x512xf32>
    %get3A_11 = arith.constant 0 : index
    %get3A_12 = arith.constant 0 : index
    %get3A_13 = vector.load %arg10[%get3A_11, %get3A_12] : memref<1x512xf32, #tpu.memory_space<vmem>>, vector<1x512xf32>
    %add3A = vector.broadcast %get3A_13 : vector<1x512xf32> to vector<512x512xf32>
    %add3A_14 = arith.addf %dot_general3A_10, %add3A : vector<512x512xf32>
    %mul3A = arith.constant 5.000000e-01 : f32
    %mul3A_15 = vector.broadcast %mul3A : f32 to vector<512x512xf32>
    %mul3A_16 = arith.mulf %mul3A_15, %add3A_14 : vector<512x512xf32>
    %mul3A_17 = arith.constant 0.707106769 : f32
    %mul3A_18 = vector.broadcast %mul3A_17 : f32 to vector<512x512xf32>
    %mul3A_19 = arith.mulf %add3A_14, %mul3A_18 : vector<512x512xf32>
    %erf3A = math.erf %mul3A_19 : vector<512x512xf32>
    %add3A_20 = arith.constant 1.000000e+00 : f32
    %add3A_21 = vector.broadcast %add3A_20 : f32 to vector<512x512xf32>
    %add3A_22 = arith.addf %add3A_21, %erf3A : vector<512x512xf32>
    %mul3A_23 = arith.mulf %mul3A_16, %add3A_22 : vector<512x512xf32>
    %iota3A = tpu.iota {dimensions = array<i32: 1>} : vector<512x512xi32>
    %jit3A = arith.constant 64 : i32
    %div3A = vector.broadcast %jit3A : i32 to vector<512x512xi32>
    %div3A_24 = arith.divsi %iota3A, %div3A : vector<512x512xi32>
    %sign3A = arith.constant 0 : i32
    %sign3A_25 = vector.broadcast %sign3A : i32 to vector<512x512xi32>
    %sign3A_26 = arith.cmpi sgt, %iota3A, %sign3A_25 : vector<512x512xi32>
    %sign3A_27 = arith.extui %sign3A_26 : vector<512x512xi1> to vector<512x512xi32>
    %sign3A_28 = arith.constant 0 : i32
    %sign3A_29 = vector.broadcast %sign3A_28 : i32 to vector<512x512xi32>
    %sign3A_30 = arith.cmpi slt, %iota3A, %sign3A_29 : vector<512x512xi32>
    %sign3A_31 = arith.extui %sign3A_30 : vector<512x512xi1> to vector<512x512xi32>
    %sign3A_32 = arith.subi %sign3A_27, %sign3A_31 : vector<512x512xi32>
    %sign3A_33 = arith.constant 0 : i32
    %sign3A_34 = arith.cmpi sgt, %jit3A, %sign3A_33 : i32
    %sign3A_35 = arith.extui %sign3A_34 : i1 to i32
    %sign3A_36 = arith.constant 0 : i32
    %sign3A_37 = arith.cmpi slt, %jit3A, %sign3A_36 : i32
    %sign3A_38 = arith.extui %sign3A_37 : i1 to i32
    %sign3A_39 = arith.subi %sign3A_35, %sign3A_38 : i32
    %ne3A = vector.broadcast %sign3A_39 : i32 to vector<512x512xi32>
    %ne3A_40 = arith.cmpi ne, %sign3A_32, %ne3A : vector<512x512xi32>
    %rem3A = vector.broadcast %jit3A : i32 to vector<512x512xi32>
    %rem3A_41 = arith.remsi %iota3A, %rem3A : vector<512x512xi32>
    %ne3A_42 = arith.constant 0 : i32
    %ne3A_43 = vector.broadcast %ne3A_42 : i32 to vector<512x512xi32>
    %ne3A_44 = arith.cmpi ne, %rem3A_41, %ne3A_43 : vector<512x512xi32>
    %and3A = arith.andi %ne3A_40, %ne3A_44 : vector<512x512xi1>
    %sub3A = arith.constant 1 : i32
    %sub3A_45 = vector.broadcast %sub3A : i32 to vector<512x512xi32>
    %sub3A_46 = arith.subi %div3A_24, %sub3A_45 : vector<512x512xi32>
    %select_n3A = arith.select %and3A, %sub3A_46, %div3A_24 : vector<512x512xi1>, vector<512x512xi32>
    %eq3A_47 = vector.broadcast %reshape3A : vector<512x1xi32> to vector<512x512xi32>
    %eq3A_48 = arith.cmpi eq, %select_n3A, %eq3A_47 : vector<512x512xi32>
    %jit3A_49 = arith.constant 0.000000e+00 : f32
    %broadcast_in_dim3A = vector.broadcast %jit3A_49 : f32 to vector<512x512xf32>
    %select_n3A_50 = arith.select %eq3A_48, %mul3A_23, %broadcast_in_dim3A : vector<512x512xi1>, vector<512x512xf32>
    %convert_element_type3A_51 = arith.truncf %select_n3A_50 : vector<512x512xf32> to vector<512x512xbf16>
    %get3A_52 = arith.constant 0 : index
    %get3A_53 = arith.constant 0 : index
    %get3A_54 = vector.load %arg9[%get3A_52, %get3A_53] : memref<512x1024xbf16, #tpu.memory_space<vmem>>, vector<512x1024xbf16>
    %dot_general3A_55 = arith.constant dense<0.000000e+00> : vector<512x1024xf32>
    %dot_general3A_56 = tpu.matmul %convert_element_type3A_51, %get3A_54, %dot_general3A_55 {dimension_numbers = #tpu.dot_dimension_numbers<[1], [0], [0], [1], [0, 0, 1, 1], [], []>, transpose_lhs_hint = false} : vector<512x512xbf16>, vector<512x1024xbf16>, vector<512x1024xf32> -> vector<512x1024xf32>
    %iota3A_57 = tpu.iota {dimensions = array<i32: 1>} : vector<512x8xi32>
    %eq3A_58 = vector.broadcast %reshape3A : vector<512x1xi32> to vector<512x8xi32>
    %eq3A_59 = arith.cmpi eq, %iota3A_57, %eq3A_58 : vector<512x8xi32>
    %convert_element_type3A_60 = arith.extui %eq3A_59 : vector<512x8xi1> to vector<512x8xi32>
    %convert_element_type3A_61 = arith.sitofp %convert_element_type3A_60 : vector<512x8xi32> to vector<512x8xf32>
    %get3A_62 = arith.constant 0 : index
    %get3A_63 = arith.constant 0 : index
    %get3A_64 = vector.load %arg6[%get3A_62, %get3A_63] : memref<8x1024xf32, #tpu.memory_space<vmem>>, vector<8x1024xf32>
    %dot_general3A_65 = arith.constant dense<0.000000e+00> : vector<512x1024xf32>
    %dot_general3A_66 = tpu.matmul %convert_element_type3A_61, %get3A_64, %dot_general3A_65 {dimension_numbers = #tpu.dot_dimension_numbers<[1], [0], [0], [1], [0, 0, 1, 1], [], []>, transpose_lhs_hint = false} : vector<512x8xf32>, vector<8x1024xf32>, vector<512x1024xf32> -> vector<512x1024xf32>
    %add3A_67 = arith.addf %get3A_3, %dot_general3A_56 : vector<512x1024xf32>
    %add3A_68 = arith.addf %add3A_67, %dot_general3A_66 : vector<512x1024xf32>
    %swap3A = arith.constant 0 : index
    %swap3A_69 = arith.constant 0 : index
    %swap3A_70 = vector.load %arg7[%swap3A, %swap3A_69] : memref<512x1024xf32, #tpu.memory_space<vmem>>, vector<512x1024xf32>
    tpu.vector_store %arg7[%swap3A, %swap3A_69], %add3A_68 {strides = array<i32>} : memref<512x1024xf32, #tpu.memory_space<vmem>>, vector<512x1024xf32>,
    return
  }
  func.func @transform_0(%arg0: i32) -> i32 {
    %c0_i32 = arith.constant 0 : i32
    return %arg0 : i32
  }
  func.func @transform_1(%arg0: i32) -> (i32, i32) {
    %c0_i32 = arith.constant 0 : i32
    %c0_i32_0 = arith.constant 0 : i32
    return %arg0, %c0_i32 : i32, i32
  }
  func.func @transform_2(%arg0: i32) -> (i32, i32, i32) {
    %c0_i32 = arith.constant 0 : i32
    %c0_i32_0 = arith.constant 0 : i32
    %c0_i32_1 = arith.constant 0 : i32
    %c0_i32_2 = arith.constant 0 : i32
    return %c0_i32, %c0_i32_0, %c0_i32_1 : i32, i32, i32
  }
  func.func @transform_3(%arg0: i32) -> (i32, i32) {
    %c0_i32 = arith.constant 0 : i32
    %c0_i32_0 = arith.constant 0 : i32
    %c0_i32_1 = arith.constant 0 : i32
    return %c0_i32, %c0_i32_0 : i32, i32
  }
  func.func @transform_4(%arg0: i32) -> (i32, i32, i32) {
    %c0_i32 = arith.constant 0 : i32
    %c0_i32_0 = arith.constant 0 : i32
    %c0_i32_1 = arith.constant 0 : i32
    %c0_i32_2 = arith.constant 0 : i32
    return %c0_i32, %c0_i32_0, %c0_i32_1 : i32, i32, i32
  }
  func.func @transform_5(%arg0: i32) -> (i32, i32) {
    %c0_i32 = arith.constant 0 : i32
    %c0_i32_0 = arith.constant 0 : i32
    %c0_i32_1 = arith.constant 0 : i32
    return %c0_i32, %c0_i32_0 : i32, i32
  }
  func.func @transform_6(%arg0: i32) -> (i32, i32) {
    %c0_i32 = arith.constant 0 : i32
    %c0_i32_0 = arith.constant 0 : i32
    return %arg0, %c0_i32 : i32, i32
  }
}

</mosaic_0001>

<sc_bundles>
// kernel: gather_offload_async_start
scs
__scs_entry_jumppad:
0x0: {  	(pc) =	sbr.rel $0x88, $3  }
0x1: {  	(tag) =	ssettag $0x0;
	lr =	simm.s32 $0x1  }
0x2: {  	[smem:$0x3F9B] =	sst lr;
	_ =	strace $0xD0000000  }
0x3: {  	_ = 	snop  }
0x4: {  	_ = 	snop  }
0x5: {  	_ = 	snop  }
0x6: {  	_ = 	snop  }
0x7: {  	_ = 	snop  }
__scs_overlays_trampoline_lowered:
0x8: {  	[smem:$0x3FAA] =	sst s0  }
0x9: {  	[smem:$0x3FAB] =	sst s1  }
0xa: {  	[smem:$0x3FAC] =	sst s2  }
0xb: {  	[smem:$0x3FAD] =	sst s3  }
0xc: {  	[smem:$0x3FAE] =	sst s4  }
0xd: {  	[smem:$0x3FAF] =	sst s5  }
0xe: {  	[smem:$0x3FB0] =	sst s6  }
0xf: {  	[smem:$0x3FB1] =	sst s7  }
0x10: {  	[smem:$0x3FB2] =	sst s8  }
0x11: {  	[smem:$0x3FB3] =	sst s9;
	s0 =	simm.s32 @!p0 $0x0  }
0x12: {  	s1 =	sld [smem:$0x3F99];
	s0 =	simm.s32 @p0 $0x1  }
0x13: {  	[smem:$0x3FB4] =	sst s0;
	s0 =	simm.s32 @!p1 $0x0  }
0x14: {  	s2 =	sld [smem:$0x3F98];
	s0 =	simm.s32 @p1 $0x1  }
0x15: {  	[smem:$0x3FB5] =	sst s0;
	s0 =	simm.s32 @!p2 $0x0  }
0x16: {  	s3 =	sld [smem:$0x3FDB];
	s0 =	simm.s32 @p2 $0x1  }
0x17: {  	s4 =	simm.s32 $0x1BF5;
	[smem:$0x3FB7] =	sst s0  }
0x18: {  	s0 =	sld [smem:$0x3F9A];
	_ =	swait.ge [sflag:s4], $0x0  }
0x19: {  	s7 =	sld [smem:$0x3F9B]  }
0x1a: {  	s8 =	sadd.s32 $0xFFFFE003, lr  }
0x1b: {  	s9 =	sadd.s32 $0xFFFFFEF7, lr;
	s5 =	simm.s32 $0xFFFFFFFF;
	p2 =	slt.u32 s8, $0xFFFFF086  }
0x1c: {  	p1 =	slt.u32 s9, $0xF7A;
	s5 =	simm.s32 @!p2 $0x0  }
0x1d: {  	s5 =	simm.s32 @p1 $0x1;
	p0 =	seq.s32 s7, s2  }
0x1e: {  	s7 =	smul.u32 @!p0 $0xF7A, s2;
	p2 =	seq.s32 @!p0 s5, $0x0  }
0x1f: {  	s9 =	smul.u32 $0xF7A, s1;
	s8 =	simm.s32 @!p0 $0x1BF5;
	p2 =	por !p2, p0  }
0x20: {  	[sflag:s8] =	ssyncset.s32 @!p0 $0xFFFFF086;
	s6 =	sadd.s32 @!p0 s3, s7;
	s7 =	simm.s32 @!p0 $0x108  }
0x21: {  	s3 =	sadd.s32 s3, s9;
	s6 =	sadd.s32 @!p0 $0x88, s6;
	s7 =	simm.s32 @p2 $0x1082  }
0x22: {  	[simem:s7], [sflag:s8] =	dma.local @!p0 [hbm:s6], $0xF7A  }
0x23: {  	s9 =	sor.u32 $0xD0000000, s2;
	s6 =	simm.s32 $0x108;
	_ =	swait.ge @!p0 [sflag:s8], $0x0  }
0x24: {  	s3 =	sadd.s32 $0x88, s3;
	s6 =	simm.s32 @!p1 $0x1082;
	[sflag:s4] =	ssyncset.s32 $0xFFFFF086  }
0x25: {  	[simem:s6], [sflag:s4] =	dma.local [hbm:s3], $0xF7A  }
0x26: {  	[smem:$0x3F9B] =	sst s1;
	(tag) =	ssettag s2;
	_ =	strace s9  }
0x27: {  	s1 =	sld [smem:$0x3FAB]  }
0x28: {  	s2 =	sld [smem:$0x3FAC]  }
0x29: {  	s4 =	sld [smem:$0x3FAE]  }
0x2a: {  	p0 =	seq.s32 s5, $0x0;
	s5 =	sld [smem:$0x3FAF]  }
0x2b: {  	s6 =	sld [smem:$0x3FB0]  }
0x2c: {  	s7 =	sld [smem:$0x3FB1]  }
0x2d: {  	s3 =	simm.s32 $0x108;
	s8 =	sld [smem:$0x3FB2]  }
0x2e: {  	s3 =	simm.s32 @!p0 $0x1082;
	s9 =	sld [smem:$0x3FB3]  }
0x2f: {  	lr =	sadd.s32 s0, s3;
	s0 =	sld [smem:$0x3FAA]  }
0x30: {  	s3 =	sld [smem:$0x3FAD]  }
0x31: {  	[smem:$0x3FB6] =	sst s10  }
0x32: {  	s10 =	sld [smem:$0x3FB4];
	_ =	sdelay $0x3  }
0x33: {  	p0 =	seq.s32 s10, $0x1;
	s10 =	sld [smem:$0x3FB6];
	_ =	sdelay $0x3  }
0x34: {  	[smem:$0x3FB6] =	sst s10  }
0x35: {  	s10 =	sld [smem:$0x3FB5];
	_ =	sdelay $0x3  }
0x36: {  	p1 =	seq.s32 s10, $0x1;
	s10 =	sld [smem:$0x3FB6];
	_ =	sdelay $0x3  }
0x37: {  	[smem:$0x3FB6] =	sst s10  }
0x38: {  	s10 =	sld [smem:$0x3FB7]  }
0x39: {  	_ = 	snop;
	(pc) =	sbr.ind lr, $3  }
0x3a: {  	_ = 	snop  }
0x3b: {  	_ = 	snop  }
0x3c: {  	p2 =	seq.s32 s10, $0x1;
	s10 =	sld [smem:$0x3FB6]  }
0x3d: {  	_ =	shalt  }
0x3e: {  	_ =	shalt  }
0x3f: {  	_ =	shalt  }
0x40: {  	_ =	shalt  }
0x41: {  	_ =	shalt  }
0x42: {  	_ =	shalt  }
0x43: {  	_ =	shalt  }
0x44: {  	_ =	shalt  }
0x45: {  	_ =	shalt  }
0x46: {  	_ =	shalt  }
0x47: {  	_ =	shalt  }
0x48: {  	_ =	shalt  }
0x49: {  	_ =	shalt  }
0x4a: {  	_ =	shalt  }
0x4b: {  	_ =	shalt  }
0x4c: {  	_ =	shalt  }
0x4d: {  	_ =	shalt  }
0x4e: {  	_ =	shalt  }
0x4f: {  	_ =	shalt  }
0x50: {  	_ =	shalt  }
0x51: {  	_ =	shalt  }
0x52: {  	_ =	shalt  }
0x53: {  	_ =	shalt  }
0x54: {  	_ =	shalt  }
0x55: {  	_ =	shalt  }
0x56: {  	_ =	shalt  }
0x57: {  	_ =	shalt  }
0x58: {  	_ =	shalt  }
0x59: {  	_ =	shalt  }
0x5a: {  	_ =	shalt  }
0x5b: {  	_ =	shalt  }
0x5c: {  	_ =	shalt  }
0x5d: {  	_ =	shalt  }
0x5e: {  	_ =	shalt  }
0x5f: {  	_ =	shalt  }
0x60: {  	_ =	shalt  }
0x61: {  	_ =	shalt  }
0x62: {  	_ =	shalt  }
0x63: {  	_ =	shalt  }
0x64: {  	_ =	shalt  }
0x65: {  	_ =	shalt  }
0x66: {  	_ =	shalt  }
0x67: {  	_ =	shalt  }
0x68: {  	_ =	shalt  }
0x69: {  	_ =	shalt  }
0x6a: {  	_ =	shalt  }
0x6b: {  	_ =	shalt  }
0x6c: {  	_ =	shalt  }
0x6d: {  	_ =	shalt  }
0x6e: {  	_ =	shalt  }
0x6f: {  	_ =	shalt  }
0x70: {  	_ =	shalt  }
0x71: {  	_ =	shalt  }
0x72: {  	_ =	shalt  }
0x73: {  	_ =	shalt  }
0x74: {  	_ =	shalt  }
0x75: {  	_ =	shalt  }
0x76: {  	_ =	shalt  }
0x77: {  	_ =	shalt  }
0x78: {  	_ =	shalt  }
0x79: {  	_ =	shalt  }
0x7a: {  	_ =	shalt  }
0x7b: {  	_ =	shalt  }
0x7c: {  	_ =	shalt  }
0x7d: {  	_ =	shalt  }
0x7e: {  	_ =	shalt  }
0x7f: {  	_ =	shalt  }
0x80: {  	_ =	shalt  }
0x81: {  	_ =	shalt  }
0x82: {  	_ =	shalt  }
0x83: {  	_ =	shalt  }
0x84: {  	_ =	shalt  }
0x85: {  	_ =	shalt  }
0x86: {  	_ =	shalt  }
0x87: {  	_ =	shalt  }
.Lfunc_end0:
.L_simem_size_0:
called_computation_lowered:
.L_overlay_start_0:
0x88: {  	s2 =	sld [smem:$0x3FD9]  }
0x89: {  	s3 =	sld [smem:$0x3FFE];
	_ =	sdelay $0x1  }
0x8a: {  	s1 =	srdreg.scid  }
0x8b: {  	s0 =	sand.u32 $0x1, s1  }
0x8c: {  	s17 =	sshll.u32 s0, $0xA;
	s2 =	sadd.s32 s3, s2  }
0x8d: {  	s2 =	sadd.s32 s2, s17  }
0x8e: {  	[smem:$0x3FC2] =	sst s2  }
0x8f: {  	_ = 	snop  }
0x90: {  	s2 =	sld [smem:$0x3FC8];
	(tm) =	ssettm $0x1  }
0x91: {  	s18 =	sld [smem:$0x3FFB];
	_ =	sdelay $0x3  }
0x92: {  	_ =	strace s18  }
0x93: {  	s3 =	sld [smem:$0x3FFC];
	_ =	sdelay $0x3  }
0x94: {  	_ =	strace s3  }
0x95: {  	s3 =	sld [smem:$0x3FFD];
	_ =	sdelay $0x3  }
0x96: {  	_ =	strace s3  }
0x97: {  	_ =	strace $0x8FFFFFFF  }
0x98: {  	s19 =	sld [smem:$0x3FDB];
	_ =	sdelay $0x1  }
0x99: {  	s4 =	simm.s32 $_scs_section_size  }
0x9a: {  	s5 =	simm.s32 $_size__tile_overlayer_lowered;
	s6 =	simm.s32 $_tile_overlayer_lowered  }
0x9b: {  	s22 =	simm.s32 $0x1BFF;
	s21 =	sshll.u32 s6, $0x1;
	s3 =	sadd.s32 s4, s19  }
0x9c: {  	s7 =	simm.s32 $0x0;
	s20 =	sshll.u32 s5, $0x1;
	s5 =	sadd.s32 s21, s3  }
0x9d: {  	[timem:s7], [sflag:s22] =	dma.local [hbm:s5], s20  }
0x9e: {  	_ =	swait.ge [sflag:s22], s20  }
0x9f: {  	s4 =	ssub.s32 $0x0, s20;
	[sflag:s22] =	ssyncset.done $0x0  }
0xa0: {  	[sflag:s22] =	ssyncadd.s32 s4;
	_ =	sdelay $0x1  }
0xa1: {  	s23 =	simm.s32 $0x1B8B  }
0xa2: {  	_ =	swait.ge [sflag:s23], $0x1  }
0xa3: {  	[sflag:s23] =	ssyncset.done $0x0  }
0xa4: {  	s25 =	simm.s32 $0x1B8E;
	s24 =	sld [smem:$0x3FFE];
	[sflag:s23] =	ssyncadd.s32 $0xFFFFFFFF  }
0xa5: {  	s26 =	simm.s32 $execute0_lowered;
	[smem:$0x3FD2] =	sst s25  }
0xa6: {  	s5 =	sshll.u32 s26, $0x1;
	_ =	strace $0x80000046;
	[dreg:$0x1] =	wrdreg $0xFFFFFFFF  }
0xa7: {  	s28 =	simm.s32 $_size_execute0_lowered;
	s3 =	sadd.s32 s3, s5;
	[dreg:$0x0] =	wrdreg $0x0  }
0xa8: {  	s5 =	sshll.u32 s28, $0x1;
	[dreg:$0x2] =	wrdreg s3  }
0xa9: {  	[dreg:$0x3] =	wrdreg s5  }
0xaa: {  	[dreg:$0x4] =	wrdreg $0xC0  }
0xab: {  	_ =	task [dreg:s7], $0x5FFFF  }
0xac: {  	[dreg:$0x1] =	wrdreg $0xFFFFFFFF  }
0xad: {  	[dreg:$0x0] =	wrdreg $0x60  }
0xae: {  	[dreg:$0x2] =	wrdreg s2  }
0xaf: {  	[dreg:$0x3] =	wrdreg s24  }
0xb0: {  	[dreg:$0x4] =	wrdreg $0x9  }
0xb1: {  	_ =	task.clear_ibuf [dreg:s7], $0x5FFFF;
	_ =	strace $0x90000046  }
0xb2: {  	s29 =	simm.s32 $0x9;
	_ =	strace $0x80000048  }
0xb3: {  	_ =	swait.ge [sflag:s29], $0x1  }
0xb4: {  	[sflag:s29] =	ssyncadd.s32 $0xFFFFFFFF  }
0xb5: {  	_ =	strace $0x90000048  }
0xb6: {  	_ =	sfence  }
0xb7: {  	s30 =	sld [smem:$0x0];
	_ =	sdelay $0x2  }
0xb8: {  	s31 =	sshll.u32 s1, $0xD;
	s1 =	sshrl.u32 s1, $0x2  }
0xb9: {  	s3 =	sand.u32 $0x4000, s31;
	s1 =	sadd.s32 s1, s30  }
0xba: {  	s0 =	sor.u32 s3, s0;
	s1 =	sshll.u32 s1, $0x11  }
0xbb: {  	s0 =	sor.u32 s1, s0  }
0xbc: {  	s0 =	sadd.s32 $0x8F2B, s0  }
0xbd: {  	[sflag:s0] =	ssyncadd.remote.s32 $0x1  }
0xbe: {  	_ =	sfence.sel $0xFFFF  }
0xbf: {  	[dreg:$0x0] =	wrdreg $0xFFFFFFFF;
	(pc) =	sbr.abs _section_cstart, $3  }
0xc0: {  	[dreg:$0x1] =	wrdreg $0xFFFFFFFF  }
0xc1: {  	_ =	task.clear_ibuf [dreg:s7], $0x2FFFF;
	_ =	strace $0x9FFFFFFF  }
0xc2: {  	(tm) =	ssettm $0x7FFFFFFF  }
0xc3: {  	_ =	shalt  }
tec
execute0_lowered:
.L_overlay_start_1:
0x0: {  	(tag) =	ssettag $0x1  }
0x1: {  	s1 =	srdreg.scid;
	s2 =	rddreg [dreg:$0x0]  }
0x2: {  	s0 =	stileid.u32;
	s6 =	rddreg [dreg:$0x1];
	s1 =	sshll.u32 s1, $0x5  }
0x3: {  	s7 =	simm.s32 $0x1;
	s3 =	sshll.u32 s0, $0x6;
	s1 =	sand.u32 $0x20, s1  }
0x4: {  	s30 =	simm.s32 $0x2;
	s31 =	simm.s32 $0x3;
	s3 =	sor.u32 s3, s1  }
0x5: {  	s11 =	simm.s32 $0x0;
	s9 =	simm.s32 $0x0;
	s5 =	ssub.s32 $0x800, s3  }
0x6: {  	s4 =	sadd.s32 $0x200, s6;
	s6 =	sadd.s32 $0x400, s6;
	s8 =	sand.u32 $0x3E0, s5  }
0x7: {  	s1 =	rddreg [dreg:$0x2];
	_ =	strace $0x80000047;
	p0 =	sne.s32 s8, $0x0  }
0x8: {  	[sflag:s7] =	ssyncpa.u1 $0x0;
	s5 =	sshrl.u32 s5, $0xA;
	s7 =	simm.s32 @!p0 $0x0  }
0x9: {  	s10 =	smov.u32 s3;
	[sflag:s30] =	ssyncpa.u1 $0x0;
	s5 =	sadd.s32 s7, s5  }
0xa: {  	[sflag:s31] =	ssyncpa.u1 $0x0;
	s8 =	simm.s32 $0x0;
	s7 =	sadd.s32 $0x1, s5  }
.LBB2_1:
0xb: {  	p0 =	sge.u32 s9, s5  }
0xc: {  	s31 =	sadd.s32 $0xFFFFFFFF, s9;
	s12 =	sxor.u32 @!p0 $0xFFFFFFFF, s8;
	s13 =	sshrl.u32 @!p0 s10, $0x3  }
0xd: {  	s14 =	sand.u32 @!p0 $0x7, s10;
	s12 =	sand.u32 @!p0 $0x20, s12;
	s13 =	sadd.s32 @!p0 s4, s13  }
0xe: {  	[tilespmem:s12], [sflag:$0x2] =	stream.linear.gather @!p0 [hbm4b:s13+s14], $0x20, $0x38;
	[tilespmem:$0x80] =	vst v63  }
0xf: {  	p0 =	sge.u32 s31, s5  }
0x10: {  	s12 =	simm.s32 @!p0 $0x2  }
0x11: {  	_ =	swait.ge @!p0 [sflag:s12], $0x20  }
0x12: {  	[sflag:s12] =	ssyncset.done @!p0 $0x0  }
0x13: {  	[sflag:s12] =	ssyncadd.s32 @!p0 $0xFFFFFFE0;
	s12 =	sand.u32 @!p0 $0x20, s8  }
0x14: {  	(ifvalue) =	ssetifvalue @!p0 $0x7FFFFFFF;
	v0 =	vld.msk @!p0 [tilespmem:s12+$0x0 ss:$0x1], $0xffff;
	_ =	sdelay $0x4  }
0x15: {  	vm0 =	vgt.s32 @!p0 v0, $0x0  }
0x16: {  	v0 =	vnsel @!p0 vm0, $0x0, v0  }
0x17: {  	v0 =	vmin.u32 @!p0 v0, $0x7FF;
	_ =	sdelay $0x2  }
0x18: {  	s14 =	simm.s32 @!p0 $0x0  }
0x19: {  	s13 =	sor.u32 @!p0 $0x40, s12;
	(ifvalue) =	ssetifvalue @!p0 $0x7FFFFFFF;
	s15 =	sor.u32 @!p0 $0x10, s12;
	vm0 =	vmmov @!p0 $0xffff  }
0x1a: {  	[tilespmem:s13], [sflag:$0x1] =	stream.indirect_vreg.gather @!p0 [hbm4b:s2+s14], $0x1, v0, vm0, $0x4038;
	[tilespmem:$0x80] =	vst v63  }
0x1b: {  	v0 =	vld.msk @!p0 [tilespmem:s15+$0x0 ss:$0x1], $0xffff;
	_ =	sdelay $0x4  }
0x1c: {  	vm1 =	vgt.s32 @!p0 v0, $0x0  }
0x1d: {  	v0 =	vnsel @!p0 vm1, $0x0, v0  }
0x1e: {  	v0 =	vmin.u32 @!p0 v0, $0x7FF;
	_ =	sdelay $0x3  }
0x1f: {  	s12 =	sor.u32 @!p0 $0x50, s12;
	(ifvalue) =	ssetifvalue @!p0 $0x7FFFFFFF  }
0x20: {  	[tilespmem:s12], [sflag:$0x1] =	stream.indirect_vreg.gather @!p0 [hbm4b:s2+s14], $0x1, v0, vm0, $0x4038;
	[tilespmem:$0x80] =	vst v63  }
0x21: {  	s12 =	simm.s32 @!p0 $0x1  }
0x22: {  	_ =	swait.ge @!p0 [sflag:s12], $0x20  }
0x23: {  	s14 =	sshrl.u32 @!p0 s11, $0x3;
	[sflag:s12] =	ssyncset.done @!p0 $0x0  }
0x24: {  	s11 =	sand.u32 @!p0 $0x7, s11;
	[sflag:s12] =	ssyncadd.s32 @!p0 $0xFFFFFFE0;
	s12 =	sadd.s32 @!p0 s6, s14  }
0x25: {  	[hbm4b:s12+s11] =	stream.linear.scatter @!p0 [tilespmem:s13], [sflag:$0x3], $0x20, $0x38;
	[tilespmem:$0x80] =	vst v63  }
0x26: {  	s13 =	sadd.s32 $0x400, s10  }
0x27: {  	p1 =	sgt.s32 s13, $0x7FF  }
0x28: {  	s13 =	smov.u32 @p1 s3;
	p1 =	sne.s32 s9, s7  }
.Ltmp0:
0x29: {  	p0 =	slt.u32 s9, $0x2;
	(pc) =	sbr.rel @p1 .LBB2_1-.Ltmp0, $4  }
0x2a: {  	s12 =	simm.s32 @!p0 $0x3  }
0x2b: {  	_ =	swait.ge @!p0 [sflag:s12], $0x20  }
0x2c: {  	s8 =	sadd.s32 $0x20, s8;
	s11 =	smov.u32 s10;
	[sflag:s12] =	ssyncset.done @!p0 $0x0  }
0x2d: {  	s9 =	sadd.s32 $0x1, s9;
	s10 =	smov.u32 s13;
	[sflag:s12] =	ssyncadd.s32 @!p0 $0xFFFFFFE0  }
0x2e: {  	_ =	sfence.sel $0x180000  }
0x2f: {  	s2 =	simm.s32 $0x2;
	[bflag:$0x0] =	sbarrier.arrive $0xFFFF  }
0x30: {  	s30 =	simm.s32 $0x3;
	[sflag:s2] =	ssyncpa.u1 $0x1  }
0x31: {  	s31 =	simm.s32 $0x1;
	[sflag:s30] =	ssyncpa.u1 $0x1  }
0x32: {  	[sflag:s31] =	ssyncpa.u1 $0x1  }
0x33: {  	p0 =	sne.s32 s0, $0x0;
	_ =	strace $0x90000047  }
0x34: {  	s0 =	sadd.s32 @!p0 $0x100000, s1;
	[bflag:$0x2] =	sbarrier.arrive $0xFFFF  }
0x35: {  	[sflag:s0] =	ssyncadd.tile.s32 @!p0 $0x1;
	_ =	shalt  }
.Lfunc_end2:
_tile_overlayer_lowered:
.L_overlay_start_2:
0x36: {  	(tag) =	ssettag $0x2  }
0x37: {  	s0 =	rddreg [dreg:$0x0];
	s2 =	stileid.u32  }
0x38: {  	s1 =	rddreg [dreg:$0x1];
	p0 =	sne.s32 s2, $0x0  }
0x39: {  	s3 =	rddreg [dreg:$0x2];
	[bflag:$0x3] =	sbarrier.arrive $0xFFFF;
	s2 =	simm.s32 @!p0 $0x1C01  }
0x3a: {  	[timem:s3], [sflag:s2] =	dma.local @!p0 [hbm:s0], s1  }
0x3b: {  	s0 =	simm.s32 @!p0 $0x1  }
0x3c: {  	_ =	swait.ge @!p0 [sflag:s0], s1  }
0x3d: {  	s1 =	ssub.s32 @!p0 $0x0, s1;
	[sflag:s0] =	ssyncset.done @!p0 $0x0  }
0x3e: {  	[sflag:s0] =	ssyncadd.s32 @!p0 s1  }
0x3f: {  	[bflag:$0x3] =	sbarrier.arrive $0xFFFF  }
0x40: {  	_ =	shalt  }

// kernel: kernel.5.cloned.1.call-start
scs
__scs_entry_jumppad:
0x0: {  	(pc) =	sbr.rel $0x88, $3  }
0x1: {  	(tag) =	ssettag $0x0;
	lr =	simm.s32 $0x1  }
0x2: {  	[smem:$0x3F9B] =	sst lr;
	_ =	strace $0xD0000000  }
0x3: {  	_ = 	snop  }
0x4: {  	_ = 	snop  }
0x5: {  	_ = 	snop  }
0x6: {  	_ = 	snop  }
0x7: {  	_ = 	snop  }
__scs_overlays_trampoline_lowered:
0x8: {  	[smem:$0x3FAA] =	sst s0  }
0x9: {  	[smem:$0x3FAB] =	sst s1  }
0xa: {  	[smem:$0x3FAC] =	sst s2  }
0xb: {  	[smem:$0x3FAD] =	sst s3  }
0xc: {  	[smem:$0x3FAE] =	sst s4  }
0xd: {  	[smem:$0x3FAF] =	sst s5  }
0xe: {  	[smem:$0x3FB0] =	sst s6  }
0xf: {  	[smem:$0x3FB1] =	sst s7  }
0x10: {  	[smem:$0x3FB2] =	sst s8  }
0x11: {  	[smem:$0x3FB3] =	sst s9;
	s0 =	simm.s32 @!p0 $0x0  }
0x12: {  	s1 =	sld [smem:$0x3F99];
	s0 =	simm.s32 @p0 $0x1  }
0x13: {  	[smem:$0x3FB4] =	sst s0;
	s0 =	simm.s32 @!p1 $0x0  }
0x14: {  	s2 =	sld [smem:$0x3F98];
	s0 =	simm.s32 @p1 $0x1  }
0x15: {  	[smem:$0x3FB5] =	sst s0;
	s0 =	simm.s32 @!p2 $0x0  }
0x16: {  	s3 =	sld [smem:$0x3FDB];
	s0 =	simm.s32 @p2 $0x1  }
0x17: {  	s4 =	simm.s32 $0x1BF5;
	[smem:$0x3FB7] =	sst s0  }
0x18: {  	s0 =	sld [smem:$0x3F9A];
	_ =	swait.ge [sflag:s4], $0x0  }
0x19: {  	s7 =	sld [smem:$0x3F9B]  }
0x1a: {  	s8 =	sadd.s32 $0xFFFFE003, lr  }
0x1b: {  	s9 =	sadd.s32 $0xFFFFFEF7, lr;
	s5 =	simm.s32 $0xFFFFFFFF;
	p2 =	slt.u32 s8, $0xFFFFF086  }
0x1c: {  	p1 =	slt.u32 s9, $0xF7A;
	s5 =	simm.s32 @!p2 $0x0  }
0x1d: {  	s5 =	simm.s32 @p1 $0x1;
	p0 =	seq.s32 s7, s2  }
0x1e: {  	s7 =	smul.u32 @!p0 $0xF7A, s2;
	p2 =	seq.s32 @!p0 s5, $0x0  }
0x1f: {  	s9 =	smul.u32 $0xF7A, s1;
	s8 =	simm.s32 @!p0 $0x1BF5;
	p2 =	por !p2, p0  }
0x20: {  	[sflag:s8] =	ssyncset.s32 @!p0 $0xFFFFF086;
	s6 =	sadd.s32 @!p0 s3, s7;
	s7 =	simm.s32 @!p0 $0x108  }
0x21: {  	s3 =	sadd.s32 s3, s9;
	s6 =	sadd.s32 @!p0 $0x88, s6;
	s7 =	simm.s32 @p2 $0x1082  }
0x22: {  	[simem:s7], [sflag:s8] =	dma.local @!p0 [hbm:s6], $0xF7A  }
0x23: {  	s9 =	sor.u32 $0xD0000000, s2;
	s6 =	simm.s32 $0x108;
	_ =	swait.ge @!p0 [sflag:s8], $0x0  }
0x24: {  	s3 =	sadd.s32 $0x88, s3;
	s6 =	simm.s32 @!p1 $0x1082;
	[sflag:s4] =	ssyncset.s32 $0xFFFFF086  }
0x25: {  	[simem:s6], [sflag:s4] =	dma.local [hbm:s3], $0xF7A  }
0x26: {  	[smem:$0x3F9B] =	sst s1;
	(tag) =	ssettag s2;
	_ =	strace s9  }
0x27: {  	s1 =	sld [smem:$0x3FAB]  }
0x28: {  	s2 =	sld [smem:$0x3FAC]  }
0x29: {  	s4 =	sld [smem:$0x3FAE]  }
0x2a: {  	p0 =	seq.s32 s5, $0x0;
	s5 =	sld [smem:$0x3FAF]  }
0x2b: {  	s6 =	sld [smem:$0x3FB0]  }
0x2c: {  	s7 =	sld [smem:$0x3FB1]  }
0x2d: {  	s3 =	simm.s32 $0x108;
	s8 =	sld [smem:$0x3FB2]  }
0x2e: {  	s3 =	simm.s32 @!p0 $0x1082;
	s9 =	sld [smem:$0x3FB3]  }
0x2f: {  	lr =	sadd.s32 s0, s3;
	s0 =	sld [smem:$0x3FAA]  }
0x30: {  	s3 =	sld [smem:$0x3FAD]  }
0x31: {  	[smem:$0x3FB6] =	sst s10  }
0x32: {  	s10 =	sld [smem:$0x3FB4];
	_ =	sdelay $0x3  }
0x33: {  	p0 =	seq.s32 s10, $0x1;
	s10 =	sld [smem:$0x3FB6];
	_ =	sdelay $0x3  }
0x34: {  	[smem:$0x3FB6] =	sst s10  }
0x35: {  	s10 =	sld [smem:$0x3FB5];
	_ =	sdelay $0x3  }
0x36: {  	p1 =	seq.s32 s10, $0x1;
	s10 =	sld [smem:$0x3FB6];
	_ =	sdelay $0x3  }
0x37: {  	[smem:$0x3FB6] =	sst s10  }
0x38: {  	s10 =	sld [smem:$0x3FB7]  }
0x39: {  	_ = 	snop;
	(pc) =	sbr.ind lr, $3  }
0x3a: {  	_ = 	snop  }
0x3b: {  	_ = 	snop  }
0x3c: {  	p2 =	seq.s32 s10, $0x1;
	s10 =	sld [smem:$0x3FB6]  }
0x3d: {  	_ =	shalt  }
0x3e: {  	_ =	shalt  }
0x3f: {  	_ =	shalt  }
0x40: {  	_ =	shalt  }
0x41: {  	_ =	shalt  }
0x42: {  	_ =	shalt  }
0x43: {  	_ =	shalt  }
0x44: {  	_ =	shalt  }
0x45: {  	_ =	shalt  }
0x46: {  	_ =	shalt  }
0x47: {  	_ =	shalt  }
0x48: {  	_ =	shalt  }
0x49: {  	_ =	shalt  }
0x4a: {  	_ =	shalt  }
0x4b: {  	_ =	shalt  }
0x4c: {  	_ =	shalt  }
0x4d: {  	_ =	shalt  }
0x4e: {  	_ =	shalt  }
0x4f: {  	_ =	shalt  }
0x50: {  	_ =	shalt  }
0x51: {  	_ =	shalt  }
0x52: {  	_ =	shalt  }
0x53: {  	_ =	shalt  }
0x54: {  	_ =	shalt  }
0x55: {  	_ =	shalt  }
0x56: {  	_ =	shalt  }
0x57: {  	_ =	shalt  }
0x58: {  	_ =	shalt  }
0x59: {  	_ =	shalt  }
0x5a: {  	_ =	shalt  }
0x5b: {  	_ =	shalt  }
0x5c: {  	_ =	shalt  }
0x5d: {  	_ =	shalt  }
0x5e: {  	_ =	shalt  }
0x5f: {  	_ =	shalt  }
0x60: {  	_ =	shalt  }
0x61: {  	_ =	shalt  }
0x62: {  	_ =	shalt  }
0x63: {  	_ =	shalt  }
0x64: {  	_ =	shalt  }
0x65: {  	_ =	shalt  }
0x66: {  	_ =	shalt  }
0x67: {  	_ =	shalt  }
0x68: {  	_ =	shalt  }
0x69: {  	_ =	shalt  }
0x6a: {  	_ =	shalt  }
0x6b: {  	_ =	shalt  }
0x6c: {  	_ =	shalt  }
0x6d: {  	_ =	shalt  }
0x6e: {  	_ =	shalt  }
0x6f: {  	_ =	shalt  }
0x70: {  	_ =	shalt  }
0x71: {  	_ =	shalt  }
0x72: {  	_ =	shalt  }
0x73: {  	_ =	shalt  }
0x74: {  	_ =	shalt  }
0x75: {  	_ =	shalt  }
0x76: {  	_ =	shalt  }
0x77: {  	_ =	shalt  }
0x78: {  	_ =	shalt  }
0x79: {  	_ =	shalt  }
0x7a: {  	_ =	shalt  }
0x7b: {  	_ =	shalt  }
0x7c: {  	_ =	shalt  }
0x7d: {  	_ =	shalt  }
0x7e: {  	_ =	shalt  }
0x7f: {  	_ =	shalt  }
0x80: {  	_ =	shalt  }
0x81: {  	_ =	shalt  }
0x82: {  	_ =	shalt  }
0x83: {  	_ =	shalt  }
0x84: {  	_ =	shalt  }
0x85: {  	_ =	shalt  }
0x86: {  	_ =	shalt  }
0x87: {  	_ =	shalt  }
.Lfunc_end0:
.L_simem_size_0:
called_computation.1_lowered:
.L_overlay_start_0:
0x88: {  	s2 =	sld [smem:$0x3FD9]  }
0x89: {  	s3 =	sld [smem:$0x3FFE];
	_ =	sdelay $0x1  }
0x8a: {  	s1 =	srdreg.scid  }
0x8b: {  	s0 =	sand.u32 $0x1, s1  }
0x8c: {  	s17 =	sshll.u32 s0, $0xA;
	s2 =	sadd.s32 s3, s2  }
0x8d: {  	s2 =	sadd.s32 s2, s17  }
0x8e: {  	[smem:$0x3FC2] =	sst s2  }
0x8f: {  	_ = 	snop  }
0x90: {  	s4 =	sld [smem:$0x3FC9]  }
0x91: {  	s18 =	sld [smem:$0x3FD0];
	(tm) =	ssettm $0x1  }
0x92: {  	s19 =	sld [smem:$0x3FFB];
	_ =	sdelay $0x3  }
0x93: {  	_ =	strace s19  }
0x94: {  	s2 =	sld [smem:$0x3FFC];
	_ =	sdelay $0x3  }
0x95: {  	_ =	strace s2  }
0x96: {  	s2 =	sld [smem:$0x3FFD];
	_ =	sdelay $0x3  }
0x97: {  	_ =	strace s2  }
0x98: {  	_ =	strace $0x8FFFFFFF  }
0x99: {  	s20 =	sld [smem:$0x3FDB];
	_ =	sdelay $0x1  }
0x9a: {  	s5 =	simm.s32 $_scs_section_size  }
0x9b: {  	s6 =	simm.s32 $_size__tile_overlayer_lowered;
	s7 =	simm.s32 $_tile_overlayer_lowered  }
0x9c: {  	s8 =	simm.s32 $0x1BFF;
	s21 =	sshll.u32 s7, $0x1;
	s5 =	sadd.s32 s5, s20  }
0x9d: {  	s22 =	simm.s32 $0x0;
	s6 =	sshll.u32 s6, $0x1;
	s7 =	sadd.s32 s21, s5  }
0x9e: {  	[timem:s22], [sflag:s8] =	dma.local [hbm:s7], s6  }
0x9f: {  	_ =	swait.ge [sflag:s8], s6  }
0xa0: {  	s6 =	ssub.s32 $0x0, s6;
	[sflag:s8] =	ssyncset.done $0x0  }
0xa1: {  	[sflag:s8] =	ssyncadd.s32 s6;
	_ =	sdelay $0x1  }
0xa2: {  	s23 =	simm.s32 $0x1B8B  }
0xa3: {  	_ =	swait.ge [sflag:s23], $0x1  }
0xa4: {  	[sflag:s23] =	ssyncset.done $0x0  }
0xa5: {  	[sflag:s23] =	ssyncadd.s32 $0xFFFFFFFF  }
0xa6: {  	s6 =	sld [smem:$0x0]  }
0xa7: {  	s7 =	sand.u32 $0xFFFFFFFE, s1  }
0xa8: {  	p0 =	sne.s32 s1, s7  }
0xa9: {  	s7 =	sshll.u32 @p0 s7, $0xE  }
0xaa: {  	s7 =	sadd.s32 @p0 $0x11B8D, s7;
	s8 =	sshll.u32 @p0 s6, $0x11  }
0xab: {  	s7 =	sor.u32 @p0 s8, s7  }
0xac: {  	[sflag:s7] =	ssyncadd.remote.s32 @p0 $0x1;
	_ =	sdelay $0x1  }
0xad: {  	s7 =	simm.s32 @p0 $0x1B8D  }
0xae: {  	_ =	swait.eq @p0 [sflag:s7], $0x1  }
0xaf: {  	[sflag:s7] =	ssyncadd.s32 @p0 $0xFFFFFFFF  }
0xb0: {  	s8 =	sshll.u32 @!p0 s1, $0xE  }
0xb1: {  	s8 =	sor.u32 @!p0 $0x4000, s8;
	s7 =	simm.s32 @!p0 $0x1B8D  }
0xb2: {  	s6 =	sshll.u32 @!p0 s6, $0x11;
	s8 =	sadd.s32 @!p0 $0x11B8D, s8;
	_ =	swait.eq @!p0 [sflag:s7], $0x1  }
0xb3: {  	s6 =	sor.u32 @!p0 s6, s8;
	[sflag:s7] =	ssyncadd.s32 @!p0 $0xFFFFFFFF  }
0xb4: {  	s25 =	simm.s32 $0x1B8E;
	s24 =	sld [smem:$0x3FFE];
	[sflag:s6] =	ssyncadd.remote.s32 @!p0 $0x1  }
0xb5: {  	s26 =	simm.s32 $execute0_lowered;
	[smem:$0x3FD2] =	sst s25  }
0xb6: {  	s7 =	sshll.u32 s26, $0x1;
	_ =	strace $0x80000049;
	[dreg:$0x1] =	wrdreg $0xFFFFFFFF  }
0xb7: {  	s28 =	simm.s32 $_size_execute0_lowered;
	s5 =	sadd.s32 s5, s7;
	[dreg:$0x0] =	wrdreg $0x0  }
0xb8: {  	s7 =	sshll.u32 s28, $0x1;
	[dreg:$0x2] =	wrdreg s5  }
0xb9: {  	[dreg:$0x3] =	wrdreg s7  }
0xba: {  	[dreg:$0x4] =	wrdreg $0xC0  }
0xbb: {  	_ =	task [dreg:s22], $0x5FFFF  }
0xbc: {  	[dreg:$0x1] =	wrdreg $0xFFFFFFFF  }
0xbd: {  	[dreg:$0x0] =	wrdreg $0x60  }
0xbe: {  	[dreg:$0x2] =	wrdreg s4  }
0xbf: {  	[dreg:$0x3] =	wrdreg s24  }
0xc0: {  	[dreg:$0x4] =	wrdreg s18  }
0xc1: {  	[dreg:$0x5] =	wrdreg $0xA  }
0xc2: {  	_ =	task.clear_ibuf [dreg:s22], $0x6FFFF;
	_ =	strace $0x90000049  }
0xc3: {  	s29 =	simm.s32 $0xA;
	_ =	strace $0x8000004B  }
0xc4: {  	_ =	swait.ge [sflag:s29], $0x1  }
0xc5: {  	[sflag:s29] =	ssyncadd.s32 $0xFFFFFFFF  }
0xc6: {  	_ =	strace $0x9000004B  }
0xc7: {  	_ =	sfence  }
0xc8: {  	s30 =	sld [smem:$0x0];
	_ =	sdelay $0x2  }
0xc9: {  	s31 =	sshll.u32 s1, $0xD;
	s1 =	sshrl.u32 s1, $0x2  }
0xca: {  	s4 =	sand.u32 $0x4000, s31;
	s1 =	sadd.s32 s1, s30  }
0xcb: {  	s0 =	sor.u32 s4, s0;
	s1 =	sshll.u32 s1, $0x11  }
0xcc: {  	s0 =	sor.u32 s1, s0  }
0xcd: {  	s0 =	sadd.s32 $0x8F2B, s0  }
0xce: {  	[sflag:s0] =	ssyncadd.remote.s32 $0x1  }
0xcf: {  	_ =	sfence.sel $0xFFFF  }
0xd0: {  	[dreg:$0x0] =	wrdreg $0xFFFFFFFF;
	(pc) =	sbr.abs _section_cstart, $3  }
0xd1: {  	[dreg:$0x1] =	wrdreg $0xFFFFFFFF  }
0xd2: {  	_ =	task.clear_ibuf [dreg:s22], $0x2FFFF;
	_ =	strace $0x9FFFFFFF  }
0xd3: {  	(tm) =	ssettm $0x7FFFFFFF  }
tec
execute0_lowered:
.L_overlay_start_1:
0x0: {  	(tag) =	ssettag $0x1  }
0x1: {  	s1 =	rddreg [dreg:$0x0]  }
0x2: {  	s2 =	srdreg.scid;
	s4 =	rddreg [dreg:$0x1]  }
0x3: {  	s0 =	stileid.u32;
	s5 =	rddreg [dreg:$0x2]  }
0x4: {  	s3 =	simm.s32 $0x0;
	s17 =	simm.s32 $0x880;
	s18 =	simm.s32 $0x1080  }
0x5: {  	s19 =	simm.s32 $0x1880;
	s21 =	simm.s32 $0x2080;
	s22 =	simm.s32 $0x2880  }
0x6: {  	s23 =	simm.s32 $0x3080;
	s24 =	simm.s32 $0x3880;
	[smem:$0x7FF] =	sst s3  }
0x7: {  	s8 =	simm.s32 $0x4080;
	_ =	strace $0x8000004A;
	[dreg:$0x6] =	wrdreg s17  }
0x8: {  	s25 =	simm.s32 $0x4880;
	s26 =	simm.s32 $0x5080;
	[dreg:$0x7] =	wrdreg s18  }
0x9: {  	s9 =	simm.s32 $0x80;
	s11 =	simm.s32 $0x6080;
	[dreg:$0x8] =	wrdreg s19  }
0xa: {  	s12 =	simm.s32 $0x6880;
	s13 =	simm.s32 $0x7080;
	[dreg:$0x9] =	wrdreg s21  }
0xb: {  	s14 =	simm.s32 $0x7880;
	s15 =	simm.s32 $0x8080;
	[dreg:$0xa] =	wrdreg s22  }
0xc: {  	s28 =	simm.s32 $0xE080;
	s29 =	simm.s32 $0xE880;
	[dreg:$0xb] =	wrdreg s23  }
0xd: {  	s30 =	simm.s32 $0xF080;
	s31 =	simm.s32 $0xF880;
	[dreg:$0xc] =	wrdreg s24  }
0xe: {  	s2 =	sand.u32 $0x1, s2;
	s6 =	sshll.u32 s0, $0x7;
	[dreg:$0xd] =	wrdreg s8  }
0xf: {  	s7 =	sshll.u32 s2, $0x6;
	s2 =	ssub.s32 $0x2, s2;
	[dreg:$0xe] =	wrdreg s25  }
0x10: {  	s8 =	simm.s32 $0x2;
	[dreg:$0xf] =	wrdreg s26;
	s17 =	simm.s32 $0x9080  }
0x11: {  	s18 =	simm.s32 $0x9880;
	s19 =	simm.s32 $0xA080;
	s21 =	simm.s32 $0xB080  }
0x12: {  	s22 =	simm.s32 $0xB880;
	s23 =	simm.s32 $0xC080;
	s24 =	simm.s32 $0xC880  }
0x13: {  	s25 =	simm.s32 $0xD080;
	s26 =	simm.s32 $0xD880;
	s6 =	sor.u32 s7, s6  }
0x14: {  	s20 =	sshrl.u32 s2, $0x1;
	s7 =	sshrl.u32 s6, $0x3;
	s6 =	sshll.u32 s6, $0x7  }
0x15: {  	s2 =	ssub.s32 s2, s20;
	s20 =	simm.s32 $0xA880;
	s4 =	sadd.s32 s4, s7  }
0x16: {  	v2 =	vlaneseq.u32;
	s16 =	sadd.s32 s5, s6;
	s5 =	sadd.s32 $0x200, s1;
	s6 =	sadd.s32 $0x300, s1  }
0x17: {  	vm0 =	vmmov $0xffff;
	v1 =	vshrl.u32 v2, $0x3;
	s7 =	smax.u32 s2, $0x1;
	s2 =	simm.s32 $0x1;
	[dreg:$0x4] =	wrdreg s4  }
0x18: {  	v0 =	vand.u32 $0x7, v2;
	v2 =	vor.u32 $0x8, v2;
	v1 =	vmul.u32 $0x8, v1;
	[dreg:$0x5] =	wrdreg s16;
	s4 =	sadd.s32 $0x100, s1;
	s16 =	simm.s32 $0x8880  }
.LBB2_1:
0x19: {  	s0 =	rddreg [dreg:$0x4]  }
0x1a: {  	[tilespmem:s3], [sflag:$0x2] =	stream.linear.gather [hbm4b:s0+s3], $0x40, $0x38;
	[tilespmem:$0x10080] =	vst v63  }
0x1b: {  	_ =	swait.ge [sflag:s8], $0x40  }
0x1c: {  	[sflag:s8] =	ssyncset.done $0x0  }
0x1d: {  	[sflag:s8] =	ssyncadd.s32 $0xFFFFFFC0  }
0x1e: {  	v3 =	vld [tilespmem:$0x0];
	_ =	sdelay $0x4  }
0x1f: {  	v4 =	vshll.u32 v3, $0x3  }
0x20: {  	v3 =	vand.u32 $0x7, v3;
	v4 =	vand.u32 $0xFFFFFFC0, v4  }
0x21: {  	v3 =	vor.u32 v3, v4  }
0x22: {  	v4 =	vperm.xlane v3, v0;
	_ =	sdelay $0x1  }
0x23: {  	v4 =	vadd.s32 v1, v4;
	_ =	sdelay $0x4  }
0x24: {  	[tilespmem:s9], [sflag:$0x1] =	stream.indirect_vreg.gather [hbm4b:s1+s3], $0x80, v4, vm0, $0xb8;
	[tilespmem:$0x10080] =	vst v63  }
0x25: {  	s0 =	rddreg [dreg:$0x6];
	v3 =	vperm.xlane v3, v2  }
0x26: {  	[tilespmem:s0], [sflag:$0x1] =	stream.indirect_vreg.gather [hbm4b:s4+s3], $0x80, v4, vm0, $0xb8;
	[tilespmem:$0x10080] =	vst v63  }
0x27: {  	s10 =	rddreg [dreg:$0x7];
	v3 =	vadd.s32 v1, v3  }
0x28: {  	[tilespmem:s10], [sflag:$0x1] =	stream.indirect_vreg.gather [hbm4b:s5+s3], $0x80, v4, vm0, $0xb8;
	[tilespmem:$0x10080] =	vst v63  }
0x29: {  	s0 =	rddreg [dreg:$0x8]  }
0x2a: {  	[tilespmem:s0], [sflag:$0x1] =	stream.indirect_vreg.gather [hbm4b:s6+s3], $0x80, v4, vm0, $0xb8;
	[tilespmem:$0x10080] =	vst v63  }
0x2b: {  	s10 =	rddreg [dreg:$0x9]  }
0x2c: {  	[tilespmem:s10], [sflag:$0x1] =	stream.indirect_vreg.gather [hbm4b:s1+s3], $0x80, v3, vm0, $0xb8;
	[tilespmem:$0x10080] =	vst v63  }
0x2d: {  	s0 =	rddreg [dreg:$0xa]  }
0x2e: {  	[tilespmem:s0], [sflag:$0x1] =	stream.indirect_vreg.gather [hbm4b:s4+s3], $0x80, v3, vm0, $0xb8;
	[tilespmem:$0x10080] =	vst v63  }
0x2f: {  	s10 =	rddreg [dreg:$0xb]  }
0x30: {  	[tilespmem:s10], [sflag:$0x1] =	stream.indirect_vreg.gather [hbm4b:s5+s3], $0x80, v3, vm0, $0xb8;
	[tilespmem:$0x10080] =	vst v63  }
0x31: {  	s0 =	rddreg [dreg:$0xc]  }
0x32: {  	[tilespmem:s0], [sflag:$0x1] =	stream.indirect_vreg.gather [hbm4b:s6+s3], $0x80, v3, vm0, $0xb8;
	[tilespmem:$0x10080] =	vst v63  }
0x33: {  	v3 =	vld [tilespmem:$0x10];
	_ =	sdelay $0x4  }
0x34: {  	v61 =	vshll.u32 v3, $0x3  }
0x35: {  	v3 =	vand.u32 $0x7, v3;
	v4 =	vand.u32 $0xFFFFFFC0, v61  }
0x36: {  	v3 =	vor.u32 v3, v4  }
0x37: {  	v4 =	vperm.xlane v3, v0;
	_ =	sdelay $0x1  }
0x38: {  	v4 =	vadd.s32 v1, v4;
	_ =	sdelay $0x3  }
0x39: {  	s0 =	rddreg [dreg:$0xd]  }
0x3a: {  	[tilespmem:s0], [sflag:$0x1] =	stream.indirect_vreg.gather [hbm4b:s1+s3], $0x80, v4, vm0, $0xb8;
	[tilespmem:$0x10080] =	vst v63  }
0x3b: {  	s10 =	rddreg [dreg:$0xe];
	v3 =	vperm.xlane v3, v2  }
0x3c: {  	[tilespmem:s10], [sflag:$0x1] =	stream.indirect_vreg.gather [hbm4b:s4+s3], $0x80, v4, vm0, $0xb8;
	[tilespmem:$0x10080] =	vst v63  }
0x3d: {  	v3 =	vadd.s32 v1, v3;
	s0 =	rddreg [dreg:$0xf]  }
0x3e: {  	[tilespmem:s0], [sflag:$0x1] =	stream.indirect_vreg.gather [hbm4b:s5+s3], $0x80, v4, vm0, $0xb8;
	[tilespmem:$0x10080] =	vst v63  }
0x3f: {  	s10 =	simm.s32 $0x5880  }
0x40: {  	[tilespmem:s10], [sflag:$0x1] =	stream.indirect_vreg.gather [hbm4b:s6+s3], $0x80, v4, vm0, $0xb8;
	[tilespmem:$0x10080] =	vst v63  }
0x41: {  	_ = 	snop  }
0x42: {  	[tilespmem:s11], [sflag:$0x1] =	stream.indirect_vreg.gather [hbm4b:s1+s3], $0x80, v3, vm0, $0xb8;
	[tilespmem:$0x10080] =	vst v63  }
0x43: {  	_ = 	snop  }
0x44: {  	[tilespmem:s12], [sflag:$0x1] =	stream.indirect_vreg.gather [hbm4b:s4+s3], $0x80, v3, vm0, $0xb8;
	[tilespmem:$0x10080] =	vst v63  }
0x45: {  	_ = 	snop  }
0x46: {  	[tilespmem:s13], [sflag:$0x1] =	stream.indirect_vreg.gather [hbm4b:s5+s3], $0x80, v3, vm0, $0xb8;
	[tilespmem:$0x10080] =	vst v63  }
0x47: {  	_ = 	snop  }
0x48: {  	[tilespmem:s14], [sflag:$0x1] =	stream.indirect_vreg.gather [hbm4b:s6+s3], $0x80, v3, vm0, $0xb8;
	[tilespmem:$0x10080] =	vst v63  }
0x49: {  	v3 =	vld [tilespmem:$0x20];
	_ =	sdelay $0x4  }
0x4a: {  	v62 =	vshll.u32 v3, $0x3  }
0x4b: {  	v3 =	vand.u32 $0x7, v3;
	v4 =	vand.u32 $0xFFFFFFC0, v62  }
0x4c: {  	v3 =	vor.u32 v3, v4  }
0x4d: {  	v4 =	vperm.xlane v3, v0;
	_ =	sdelay $0x1  }
0x4e: {  	v4 =	vadd.s32 v1, v4;
	_ =	sdelay $0x4  }
0x4f: {  	[tilespmem:s15], [sflag:$0x1] =	stream.indirect_vreg.gather [hbm4b:s1+s3], $0x80, v4, vm0, $0xb8;
	[tilespmem:$0x10080] =	vst v63  }
0x50: {  	v3 =	vperm.xlane v3, v2  }
0x51: {  	[tilespmem:s16], [sflag:$0x1] =	stream.indirect_vreg.gather [hbm4b:s4+s3], $0x80, v4, vm0, $0xb8;
	[tilespmem:$0x10080] =	vst v63  }
0x52: {  	v3 =	vadd.s32 v1, v3  }
0x53: {  	[tilespmem:s17], [sflag:$0x1] =	stream.indirect_vreg.gather [hbm4b:s5+s3], $0x80, v4, vm0, $0xb8;
	[tilespmem:$0x10080] =	vst v63  }
0x54: {  	_ = 	snop  }
0x55: {  	[tilespmem:s18], [sflag:$0x1] =	stream.indirect_vreg.gather [hbm4b:s6+s3], $0x80, v4, vm0, $0xb8;
	[tilespmem:$0x10080] =	vst v63  }
0x56: {  	_ = 	snop  }
0x57: {  	[tilespmem:s19], [sflag:$0x1] =	stream.indirect_vreg.gather [hbm4b:s1+s3], $0x80, v3, vm0, $0xb8;
	[tilespmem:$0x10080] =	vst v63  }
0x58: {  	_ = 	snop  }
0x59: {  	[tilespmem:s20], [sflag:$0x1] =	stream.indirect_vreg.gather [hbm4b:s4+s3], $0x80, v3, vm0, $0xb8;
	[tilespmem:$0x10080] =	vst v63  }
0x5a: {  	_ = 	snop  }
0x5b: {  	[tilespmem:s21], [sflag:$0x1] =	stream.indirect_vreg.gather [hbm4b:s5+s3], $0x80, v3, vm0, $0xb8;
	[tilespmem:$0x10080] =	vst v63  }
0x5c: {  	_ = 	snop  }
0x5d: {  	[tilespmem:s22], [sflag:$0x1] =	stream.indirect_vreg.gather [hbm4b:s6+s3], $0x80, v3, vm0, $0xb8;
	[tilespmem:$0x10080] =	vst v63  }
0x5e: {  	v3 =	vld [tilespmem:$0x30];
	_ =	sdelay $0x4  }
0x5f: {  	v63 =	vshll.u32 v3, $0x3  }
0x60: {  	v3 =	vand.u32 $0x7, v3;
	v4 =	vand.u32 $0xFFFFFFC0, v63  }
0x61: {  	v3 =	vor.u32 v3, v4  }
0x62: {  	v4 =	vperm.xlane v3, v0;
	_ =	sdelay $0x1  }
0x63: {  	v4 =	vadd.s32 v1, v4;
	_ =	sdelay $0x4  }
0x64: {  	[tilespmem:s23], [sflag:$0x1] =	stream.indirect_vreg.gather [hbm4b:s1+s3], $0x80, v4, vm0, $0xb8;
	[tilespmem:$0x10080] =	vst v63  }
0x65: {  	v3 =	vperm.xlane v3, v2  }
0x66: {  	[tilespmem:s24], [sflag:$0x1] =	stream.indirect_vreg.gather [hbm4b:s4+s3], $0x80, v4, vm0, $0xb8;
	[tilespmem:$0x10080] =	vst v63  }
0x67: {  	v3 =	vadd.s32 v1, v3  }
0x68: {  	[tilespmem:s25], [sflag:$0x1] =	stream.indirect_vreg.gather [hbm4b:s5+s3], $0x80, v4, vm0, $0xb8;
	[tilespmem:$0x10080] =	vst v63  }
0x69: {  	_ = 	snop  }
0x6a: {  	[tilespmem:s26], [sflag:$0x1] =	stream.indirect_vreg.gather [hbm4b:s6+s3], $0x80, v4, vm0, $0xb8;
	[tilespmem:$0x10080] =	vst v63  }
0x6b: {  	_ = 	snop  }
0x6c: {  	[tilespmem:s28], [sflag:$0x1] =	stream.indirect_vreg.gather [hbm4b:s1+s3], $0x80, v3, vm0, $0xb8;
	[tilespmem:$0x10080] =	vst v63  }
0x6d: {  	_ = 	snop  }
0x6e: {  	[tilespmem:s29], [sflag:$0x1] =	stream.indirect_vreg.gather [hbm4b:s4+s3], $0x80, v3, vm0, $0xb8;
	[tilespmem:$0x10080] =	vst v63  }
0x6f: {  	_ = 	snop  }
0x70: {  	[tilespmem:s30], [sflag:$0x1] =	stream.indirect_vreg.gather [hbm4b:s5+s3], $0x80, v3, vm0, $0xb8;
	[tilespmem:$0x10080] =	vst v63  }
0x71: {  	_ = 	snop  }
0x72: {  	[tilespmem:s31], [sflag:$0x1] =	stream.indirect_vreg.gather [hbm4b:s6+s3], $0x80, v3, vm0, $0xb8;
	[tilespmem:$0x10080] =	vst v63  }
0x73: {  	_ =	swait.ge [sflag:s2], $0x10000  }
0x74: {  	p0 =	sne.s32 s7, $0x1;
	[sflag:s2] =	ssyncset.done $0x0  }
.Ltmp0:
0x75: {  	s10 =	rddreg [dreg:$0x5];
	[sflag:s2] =	ssyncadd.s32 $0xFFFF0000;
	(pc) =	sbr.rel @p0 .LBB2_1-.Ltmp0, $4  }
0x76: {  	[hbm4b:s10+s3] =	stream.linear.scatter [tilespmem:s9], [sflag:$0x2], $0x10000, $0x38;
	[tilespmem:$0x10080] =	vst v63  }
0x77: {  	_ =	swait.ge [sflag:s8], $0x10000  }
0x78: {  	[sflag:s8] =	ssyncset.done $0x0  }
0x79: {  	s7 =	sadd.s32 $0xFFFFFFFF, s7;
	[sflag:s8] =	ssyncadd.s32 $0xFFFF0000  }
0x7a: {  	_ =	sfence.sel $0x180000  }
0x7b: {  	[bflag:$0x0] =	sbarrier.arrive $0xFFFF  }
0x7c: {  	_ =	strace $0x9000004A  }
0x7d: {  	s0 =	stileid.u32;
	[bflag:$0x2] =	sbarrier.arrive $0xFFFF  }
0x7e: {  	p0 =	sne.s32 s0, $0x0;
	s0 =	rddreg [dreg:$0x3]  }
0x7f: {  	s0 =	sadd.s32 @!p0 $0x100000, s0  }
0x80: {  	[sflag:s0] =	ssyncadd.tile.s32 @!p0 $0x1;
	_ =	shalt  }
.Lfunc_end2:
_tile_overlayer_lowered:
.L_overlay_start_2:
0x81: {  	(tag) =	ssettag $0x2  }
0x82: {  	s0 =	rddreg [dreg:$0x0];
	s2 =	stileid.u32  }
0x83: {  	s1 =	rddreg [dreg:$0x1];
	p0 =	sne.s32 s2, $0x0  }
0x84: {  	s3 =	rddreg [dreg:$0x2];
	[bflag:$0x3] =	sbarrier.arrive $0xFFFF;
	s2 =	simm.s32 @!p0 $0x1C02  }
0x85: {  	[timem:s3], [sflag:s2] =	dma.local @!p0 [hbm:s0], s1  }
0x86: {  	s0 =	simm.s32 @!p0 $0x2  }
0x87: {  	_ =	swait.ge @!p0 [sflag:s0], s1  }
0x88: {  	s1 =	ssub.s32 @!p0 $0x0, s1;
	[sflag:s0] =	ssyncset.done @!p0 $0x0  }
0x89: {  	[sflag:s0] =	ssyncadd.s32 @!p0 s1  }
0x8a: {  	[bflag:$0x3] =	sbarrier.arrive $0xFFFF  }
0x8b: {  	_ =	shalt  }

// kernel: kernel.8.cloned.1.call-start
scs
__scs_entry_jumppad:
0x0: {  	(pc) =	sbr.rel $0x88, $3  }
0x1: {  	(tag) =	ssettag $0x0;
	lr =	simm.s32 $0x1  }
0x2: {  	[smem:$0x3F9B] =	sst lr;
	_ =	strace $0xD0000000  }
0x3: {  	_ = 	snop  }
0x4: {  	_ = 	snop  }
0x5: {  	_ = 	snop  }
0x6: {  	_ = 	snop  }
0x7: {  	_ = 	snop  }
__scs_overlays_trampoline_lowered:
0x8: {  	[smem:$0x3FAA] =	sst s0  }
0x9: {  	[smem:$0x3FAB] =	sst s1  }
0xa: {  	[smem:$0x3FAC] =	sst s2  }
0xb: {  	[smem:$0x3FAD] =	sst s3  }
0xc: {  	[smem:$0x3FAE] =	sst s4  }
0xd: {  	[smem:$0x3FAF] =	sst s5  }
0xe: {  	[smem:$0x3FB0] =	sst s6  }
0xf: {  	[smem:$0x3FB1] =	sst s7  }
0x10: {  	[smem:$0x3FB2] =	sst s8  }
0x11: {  	[smem:$0x3FB3] =	sst s9;
	s0 =	simm.s32 @!p0 $0x0  }
0x12: {  	s1 =	sld [smem:$0x3F99];
	s0 =	simm.s32 @p0 $0x1  }
0x13: {  	[smem:$0x3FB4] =	sst s0;
	s0 =	simm.s32 @!p1 $0x0  }
0x14: {  	s2 =	sld [smem:$0x3F98];
	s0 =	simm.s32 @p1 $0x1  }
0x15: {  	[smem:$0x3FB5] =	sst s0;
	s0 =	simm.s32 @!p2 $0x0  }
0x16: {  	s3 =	sld [smem:$0x3FDB];
	s0 =	simm.s32 @p2 $0x1  }
0x17: {  	s4 =	simm.s32 $0x1BF5;
	[smem:$0x3FB7] =	sst s0  }
0x18: {  	s0 =	sld [smem:$0x3F9A];
	_ =	swait.ge [sflag:s4], $0x0  }
0x19: {  	s7 =	sld [smem:$0x3F9B]  }
0x1a: {  	s8 =	sadd.s32 $0xFFFFE003, lr  }
0x1b: {  	s9 =	sadd.s32 $0xFFFFFEF7, lr;
	s5 =	simm.s32 $0xFFFFFFFF;
	p2 =	slt.u32 s8, $0xFFFFF086  }
0x1c: {  	p1 =	slt.u32 s9, $0xF7A;
	s5 =	simm.s32 @!p2 $0x0  }
0x1d: {  	s5 =	simm.s32 @p1 $0x1;
	p0 =	seq.s32 s7, s2  }
0x1e: {  	s7 =	smul.u32 @!p0 $0xF7A, s2;
	p2 =	seq.s32 @!p0 s5, $0x0  }
0x1f: {  	s9 =	smul.u32 $0xF7A, s1;
	s8 =	simm.s32 @!p0 $0x1BF5;
	p2 =	por !p2, p0  }
0x20: {  	[sflag:s8] =	ssyncset.s32 @!p0 $0xFFFFF086;
	s6 =	sadd.s32 @!p0 s3, s7;
	s7 =	simm.s32 @!p0 $0x108  }
0x21: {  	s3 =	sadd.s32 s3, s9;
	s6 =	sadd.s32 @!p0 $0x88, s6;
	s7 =	simm.s32 @p2 $0x1082  }
0x22: {  	[simem:s7], [sflag:s8] =	dma.local @!p0 [hbm:s6], $0xF7A  }
0x23: {  	s9 =	sor.u32 $0xD0000000, s2;
	s6 =	simm.s32 $0x108;
	_ =	swait.ge @!p0 [sflag:s8], $0x0  }
0x24: {  	s3 =	sadd.s32 $0x88, s3;
	s6 =	simm.s32 @!p1 $0x1082;
	[sflag:s4] =	ssyncset.s32 $0xFFFFF086  }
0x25: {  	[simem:s6], [sflag:s4] =	dma.local [hbm:s3], $0xF7A  }
0x26: {  	[smem:$0x3F9B] =	sst s1;
	(tag) =	ssettag s2;
	_ =	strace s9  }
0x27: {  	s1 =	sld [smem:$0x3FAB]  }
0x28: {  	s2 =	sld [smem:$0x3FAC]  }
0x29: {  	s4 =	sld [smem:$0x3FAE]  }
0x2a: {  	p0 =	seq.s32 s5, $0x0;
	s5 =	sld [smem:$0x3FAF]  }
0x2b: {  	s6 =	sld [smem:$0x3FB0]  }
0x2c: {  	s7 =	sld [smem:$0x3FB1]  }
0x2d: {  	s3 =	simm.s32 $0x108;
	s8 =	sld [smem:$0x3FB2]  }
0x2e: {  	s3 =	simm.s32 @!p0 $0x1082;
	s9 =	sld [smem:$0x3FB3]  }
0x2f: {  	lr =	sadd.s32 s0, s3;
	s0 =	sld [smem:$0x3FAA]  }
0x30: {  	s3 =	sld [smem:$0x3FAD]  }
0x31: {  	[smem:$0x3FB6] =	sst s10  }
0x32: {  	s10 =	sld [smem:$0x3FB4];
	_ =	sdelay $0x3  }
0x33: {  	p0 =	seq.s32 s10, $0x1;
	s10 =	sld [smem:$0x3FB6];
	_ =	sdelay $0x3  }
0x34: {  	[smem:$0x3FB6] =	sst s10  }
0x35: {  	s10 =	sld [smem:$0x3FB5];
	_ =	sdelay $0x3  }
0x36: {  	p1 =	seq.s32 s10, $0x1;
	s10 =	sld [smem:$0x3FB6];
	_ =	sdelay $0x3  }
0x37: {  	[smem:$0x3FB6] =	sst s10  }
0x38: {  	s10 =	sld [smem:$0x3FB7]  }
0x39: {  	_ = 	snop;
	(pc) =	sbr.ind lr, $3  }
0x3a: {  	_ = 	snop  }
0x3b: {  	_ = 	snop  }
0x3c: {  	p2 =	seq.s32 s10, $0x1;
	s10 =	sld [smem:$0x3FB6]  }
0x3d: {  	_ =	shalt  }
0x3e: {  	_ =	shalt  }
0x3f: {  	_ =	shalt  }
0x40: {  	_ =	shalt  }
0x41: {  	_ =	shalt  }
0x42: {  	_ =	shalt  }
0x43: {  	_ =	shalt  }
0x44: {  	_ =	shalt  }
0x45: {  	_ =	shalt  }
0x46: {  	_ =	shalt  }
0x47: {  	_ =	shalt  }
0x48: {  	_ =	shalt  }
0x49: {  	_ =	shalt  }
0x4a: {  	_ =	shalt  }
0x4b: {  	_ =	shalt  }
0x4c: {  	_ =	shalt  }
0x4d: {  	_ =	shalt  }
0x4e: {  	_ =	shalt  }
0x4f: {  	_ =	shalt  }
0x50: {  	_ =	shalt  }
0x51: {  	_ =	shalt  }
0x52: {  	_ =	shalt  }
0x53: {  	_ =	shalt  }
0x54: {  	_ =	shalt  }
0x55: {  	_ =	shalt  }
0x56: {  	_ =	shalt  }
0x57: {  	_ =	shalt  }
0x58: {  	_ =	shalt  }
0x59: {  	_ =	shalt  }
0x5a: {  	_ =	shalt  }
0x5b: {  	_ =	shalt  }
0x5c: {  	_ =	shalt  }
0x5d: {  	_ =	shalt  }
0x5e: {  	_ =	shalt  }
0x5f: {  	_ =	shalt  }
0x60: {  	_ =	shalt  }
0x61: {  	_ =	shalt  }
0x62: {  	_ =	shalt  }
0x63: {  	_ =	shalt  }
0x64: {  	_ =	shalt  }
0x65: {  	_ =	shalt  }
0x66: {  	_ =	shalt  }
0x67: {  	_ =	shalt  }
0x68: {  	_ =	shalt  }
0x69: {  	_ =	shalt  }
0x6a: {  	_ =	shalt  }
0x6b: {  	_ =	shalt  }
0x6c: {  	_ =	shalt  }
0x6d: {  	_ =	shalt  }
0x6e: {  	_ =	shalt  }
0x6f: {  	_ =	shalt  }
0x70: {  	_ =	shalt  }
0x71: {  	_ =	shalt  }
0x72: {  	_ =	shalt  }
0x73: {  	_ =	shalt  }
0x74: {  	_ =	shalt  }
0x75: {  	_ =	shalt  }
0x76: {  	_ =	shalt  }
0x77: {  	_ =	shalt  }
0x78: {  	_ =	shalt  }
0x79: {  	_ =	shalt  }
0x7a: {  	_ =	shalt  }
0x7b: {  	_ =	shalt  }
0x7c: {  	_ =	shalt  }
0x7d: {  	_ =	shalt  }
0x7e: {  	_ =	shalt  }
0x7f: {  	_ =	shalt  }
0x80: {  	_ =	shalt  }
0x81: {  	_ =	shalt  }
0x82: {  	_ =	shalt  }
0x83: {  	_ =	shalt  }
0x84: {  	_ =	shalt  }
0x85: {  	_ =	shalt  }
0x86: {  	_ =	shalt  }
0x87: {  	_ =	shalt  }
.Lfunc_end0:
.L_simem_size_0:
called_computation.2_lowered:
.L_overlay_start_0:
0x88: {  	s2 =	sld [smem:$0x3FD9]  }
0x89: {  	s3 =	sld [smem:$0x3FFE];
	_ =	sdelay $0x1  }
0x8a: {  	s1 =	srdreg.scid  }
0x8b: {  	s0 =	sand.u32 $0x1, s1  }
0x8c: {  	s17 =	sshll.u32 s0, $0xA;
	s2 =	sadd.s32 s3, s2  }
0x8d: {  	s2 =	sadd.s32 s2, s17  }
0x8e: {  	[smem:$0x3FC2] =	sst s2  }
0x8f: {  	_ = 	snop  }
0x90: {  	s2 =	sld [smem:$0x3FD0];
	(tm) =	ssettm $0x1  }
0x91: {  	s18 =	sld [smem:$0x3FFB];
	_ =	sdelay $0x3  }
0x92: {  	_ =	strace s18  }
0x93: {  	s3 =	sld [smem:$0x3FFC];
	_ =	sdelay $0x3  }
0x94: {  	_ =	strace s3  }
0x95: {  	s3 =	sld [smem:$0x3FFD];
	_ =	sdelay $0x3  }
0x96: {  	_ =	strace s3  }
0x97: {  	_ =	strace $0x8FFFFFFF  }
0x98: {  	s19 =	sld [smem:$0x3FDB];
	_ =	sdelay $0x1  }
0x99: {  	s4 =	simm.s32 $_scs_section_size  }
0x9a: {  	s5 =	simm.s32 $_size__tile_overlayer_lowered;
	s6 =	simm.s32 $_tile_overlayer_lowered  }
0x9b: {  	s22 =	simm.s32 $0x1BFF;
	s21 =	sshll.u32 s6, $0x1;
	s3 =	sadd.s32 s4, s19  }
0x9c: {  	s7 =	simm.s32 $0x0;
	s20 =	sshll.u32 s5, $0x1;
	s5 =	sadd.s32 s21, s3  }
0x9d: {  	[timem:s7], [sflag:s22] =	dma.local [hbm:s5], s20  }
0x9e: {  	_ =	swait.ge [sflag:s22], s20  }
0x9f: {  	s4 =	ssub.s32 $0x0, s20;
	[sflag:s22] =	ssyncset.done $0x0  }
0xa0: {  	[sflag:s22] =	ssyncadd.s32 s4;
	_ =	sdelay $0x1  }
0xa1: {  	s23 =	simm.s32 $0x1B8B  }
0xa2: {  	_ =	swait.ge [sflag:s23], $0x1  }
0xa3: {  	[sflag:s23] =	ssyncset.done $0x0  }
0xa4: {  	s25 =	simm.s32 $0x1B8E;
	s24 =	sld [smem:$0x3FFE];
	[sflag:s23] =	ssyncadd.s32 $0xFFFFFFFF  }
0xa5: {  	s26 =	simm.s32 $execute0_lowered;
	[smem:$0x3FD2] =	sst s25  }
0xa6: {  	s5 =	sshll.u32 s26, $0x1;
	_ =	strace $0x8000004C;
	[dreg:$0x1] =	wrdreg $0xFFFFFFFF  }
0xa7: {  	s28 =	simm.s32 $_size_execute0_lowered;
	s3 =	sadd.s32 s3, s5;
	[dreg:$0x0] =	wrdreg $0x0  }
0xa8: {  	s5 =	sshll.u32 s28, $0x1;
	[dreg:$0x2] =	wrdreg s3  }
0xa9: {  	[dreg:$0x3] =	wrdreg s5  }
0xaa: {  	[dreg:$0x4] =	wrdreg $0xC0  }
0xab: {  	_ =	task [dreg:s7], $0x5FFFF  }
0xac: {  	[dreg:$0x1] =	wrdreg $0xFFFFFFFF  }
0xad: {  	[dreg:$0x0] =	wrdreg $0x60  }
0xae: {  	[dreg:$0x2] =	wrdreg s24  }
0xaf: {  	[dreg:$0x3] =	wrdreg s2  }
0xb0: {  	[dreg:$0x4] =	wrdreg $0x9  }
0xb1: {  	_ =	task.clear_ibuf [dreg:s7], $0x5FFFF;
	_ =	strace $0x9000004C  }
0xb2: {  	s29 =	simm.s32 $0x9;
	_ =	strace $0x8000004E  }
0xb3: {  	_ =	swait.ge [sflag:s29], $0x1  }
0xb4: {  	[sflag:s29] =	ssyncadd.s32 $0xFFFFFFFF  }
0xb5: {  	_ =	strace $0x9000004E  }
0xb6: {  	_ =	sfence  }
0xb7: {  	s30 =	sld [smem:$0x0];
	_ =	sdelay $0x2  }
0xb8: {  	s31 =	sshll.u32 s1, $0xD;
	s1 =	sshrl.u32 s1, $0x2  }
0xb9: {  	s3 =	sand.u32 $0x4000, s31;
	s1 =	sadd.s32 s1, s30  }
0xba: {  	s0 =	sor.u32 s3, s0;
	s1 =	sshll.u32 s1, $0x11  }
0xbb: {  	s0 =	sor.u32 s1, s0  }
0xbc: {  	s0 =	sadd.s32 $0x8F2B, s0  }
0xbd: {  	[sflag:s0] =	ssyncadd.remote.s32 $0x1  }
0xbe: {  	_ =	sfence.sel $0xFFFF  }
0xbf: {  	[dreg:$0x0] =	wrdreg $0xFFFFFFFF;
	(pc) =	sbr.abs _section_cstart, $3  }
0xc0: {  	[dreg:$0x1] =	wrdreg $0xFFFFFFFF  }
0xc1: {  	_ =	task.clear_ibuf [dreg:s7], $0x2FFFF;
	_ =	strace $0x9FFFFFFF  }
0xc2: {  	(tm) =	ssettm $0x7FFFFFFF  }
0xc3: {  	_ =	shalt  }
tec
execute0_lowered:
.L_overlay_start_1:
0x0: {  	(tag) =	ssettag $0x1  }
0x1: {  	s1 =	srdreg.scid  }
0x2: {  	s0 =	stileid.u32;
	s6 =	rddreg [dreg:$0x0]  }
0x3: {  	s4 =	rddreg [dreg:$0x1];
	s18 =	simm.s32 $0x880;
	s19 =	simm.s32 $0x1080  }
0x4: {  	s20 =	simm.s32 $0x1880;
	s22 =	simm.s32 $0x2080;
	s23 =	simm.s32 $0x2880  }
0x5: {  	s7 =	simm.s32 $0x3080;
	s24 =	simm.s32 $0x3880;
	s8 =	simm.s32 $0x4080  }
0x6: {  	s25 =	simm.s32 $0x4880;
	s26 =	simm.s32 $0x5080;
	s1 =	sand.u32 $0x1, s1  }
0x7: {  	s9 =	simm.s32 $0x80;
	s2 =	sshll.u32 s0, $0x7;
	s3 =	sshll.u32 s1, $0x6  }
0x8: {  	s11 =	simm.s32 $0x6080;
	s3 =	sor.u32 s3, s2;
	s2 =	simm.s32 $0x0  }
0x9: {  	s12 =	simm.s32 $0x6880;
	s13 =	simm.s32 $0x7080;
	[smem:$0x7FF] =	sst s2  }
0xa: {  	s14 =	simm.s32 $0x7880;
	_ =	strace $0x8000004D;
	[dreg:$0x5] =	wrdreg s18  }
0xb: {  	s15 =	simm.s32 $0x8080;
	s16 =	simm.s32 $0x8880;
	[dreg:$0x6] =	wrdreg s19  }
0xc: {  	s17 =	simm.s32 $0x9080;
	s28 =	simm.s32 $0xE080;
	[dreg:$0x7] =	wrdreg s20  }
0xd: {  	s29 =	simm.s32 $0xE880;
	s30 =	simm.s32 $0xF080;
	[dreg:$0x8] =	wrdreg s22  }
0xe: {  	s31 =	simm.s32 $0xF880;
	s1 =	ssub.s32 $0x2, s1;
	[dreg:$0x9] =	wrdreg s23  }
0xf: {  	s21 =	sshrl.u32 s1, $0x1;
	s5 =	sshrl.u32 s3, $0x3;
	[dreg:$0xa] =	wrdreg s7  }
0x10: {  	s3 =	sshll.u32 s3, $0x7;
	s1 =	ssub.s32 s1, s21;
	[dreg:$0xb] =	wrdreg s24  }
0x11: {  	s21 =	simm.s32 $0xB080;
	s5 =	sadd.s32 s5, s6;
	[dreg:$0xc] =	wrdreg s8  }
0x12: {  	s3 =	sadd.s32 s4, s3;
	s4 =	sadd.s32 $0xB00, s6;
	[dreg:$0xd] =	wrdreg s25  }
0x13: {  	s7 =	smax.u32 s1, $0x1;
	s8 =	simm.s32 $0x2;
	[dreg:$0xe] =	wrdreg s26  }
0x14: {  	s18 =	simm.s32 $0x9880;
	s19 =	simm.s32 $0xA080;
	s20 =	simm.s32 $0xA880  }
0x15: {  	s22 =	simm.s32 $0xB880;
	s23 =	simm.s32 $0xC080;
	s24 =	simm.s32 $0xC880  }
0x16: {  	v2 =	vlaneseq.u32;
	s25 =	simm.s32 $0xD080;
	s26 =	simm.s32 $0xD880;
	s1 =	simm.s32 $0x1  }
0x17: {  	vm0 =	vmmov $0xffff;
	v1 =	vshrl.u32 v2, $0x3;
	s5 =	sadd.s32 $0x800, s5;
	[dreg:$0x4] =	wrdreg s3;
	s3 =	sadd.s32 $0xA00, s6  }
0x18: {  	v0 =	vand.u32 $0x7, v2;
	v2 =	vor.u32 $0x8, v2;
	v1 =	vmul.u32 $0x8, v1;
	[dreg:$0x3] =	wrdreg s5;
	s5 =	sadd.s32 $0xC00, s6;
	s6 =	sadd.s32 $0xD00, s6  }
.LBB2_1:
0x19: {  	s0 =	rddreg [dreg:$0x3]  }
0x1a: {  	[tilespmem:s2], [sflag:$0x2] =	stream.linear.gather [hbm4b:s0+s2], $0x40, $0x38;
	[tilespmem:$0x10080] =	vst v63  }
0x1b: {  	_ =	swait.ge [sflag:s8], $0x40  }
0x1c: {  	[sflag:s8] =	ssyncset.done $0x0  }
0x1d: {  	[sflag:s8] =	ssyncadd.s32 $0xFFFFFFC0  }
0x1e: {  	v3 =	vld [tilespmem:$0x0];
	_ =	sdelay $0x4  }
0x1f: {  	v4 =	vshll.u32 v3, $0x3  }
0x20: {  	v3 =	vand.u32 $0x7, v3;
	v4 =	vand.u32 $0xFFFFFFC0, v4  }
0x21: {  	v3 =	vor.u32 v3, v4  }
0x22: {  	v4 =	vperm.xlane v3, v0;
	_ =	sdelay $0x1  }
0x23: {  	v4 =	vadd.s32 v1, v4;
	_ =	sdelay $0x4  }
0x24: {  	[tilespmem:s9], [sflag:$0x1] =	stream.indirect_vreg.gather [hbm4b:s3+s2], $0x80, v4, vm0, $0xb8;
	[tilespmem:$0x10080] =	vst v63  }
0x25: {  	s0 =	rddreg [dreg:$0x5];
	v3 =	vperm.xlane v3, v2  }
0x26: {  	[tilespmem:s0], [sflag:$0x1] =	stream.indirect_vreg.gather [hbm4b:s4+s2], $0x80, v4, vm0, $0xb8;
	[tilespmem:$0x10080] =	vst v63  }
0x27: {  	s10 =	rddreg [dreg:$0x6];
	v3 =	vadd.s32 v1, v3  }
0x28: {  	[tilespmem:s10], [sflag:$0x1] =	stream.indirect_vreg.gather [hbm4b:s5+s2], $0x80, v4, vm0, $0xb8;
	[tilespmem:$0x10080] =	vst v63  }
0x29: {  	s0 =	rddreg [dreg:$0x7]  }
0x2a: {  	[tilespmem:s0], [sflag:$0x1] =	stream.indirect_vreg.gather [hbm4b:s6+s2], $0x80, v4, vm0, $0xb8;
	[tilespmem:$0x10080] =	vst v63  }
0x2b: {  	s10 =	rddreg [dreg:$0x8]  }
0x2c: {  	[tilespmem:s10], [sflag:$0x1] =	stream.indirect_vreg.gather [hbm4b:s3+s2], $0x80, v3, vm0, $0xb8;
	[tilespmem:$0x10080] =	vst v63  }
0x2d: {  	s0 =	rddreg [dreg:$0x9]  }
0x2e: {  	[tilespmem:s0], [sflag:$0x1] =	stream.indirect_vreg.gather [hbm4b:s4+s2], $0x80, v3, vm0, $0xb8;
	[tilespmem:$0x10080] =	vst v63  }
0x2f: {  	s10 =	rddreg [dreg:$0xa]  }
0x30: {  	[tilespmem:s10], [sflag:$0x1] =	stream.indirect_vreg.gather [hbm4b:s5+s2], $0x80, v3, vm0, $0xb8;
	[tilespmem:$0x10080] =	vst v63  }
0x31: {  	s0 =	rddreg [dreg:$0xb]  }
0x32: {  	[tilespmem:s0], [sflag:$0x1] =	stream.indirect_vreg.gather [hbm4b:s6+s2], $0x80, v3, vm0, $0xb8;
	[tilespmem:$0x10080] =	vst v63  }
0x33: {  	v3 =	vld [tilespmem:$0x10];
	_ =	sdelay $0x4  }
0x34: {  	v61 =	vshll.u32 v3, $0x3  }
0x35: {  	v3 =	vand.u32 $0x7, v3;
	v4 =	vand.u32 $0xFFFFFFC0, v61  }
0x36: {  	v3 =	vor.u32 v3, v4  }
0x37: {  	v4 =	vperm.xlane v3, v0;
	_ =	sdelay $0x1  }
0x38: {  	v4 =	vadd.s32 v1, v4;
	_ =	sdelay $0x3  }
0x39: {  	s0 =	rddreg [dreg:$0xc]  }
0x3a: {  	[tilespmem:s0], [sflag:$0x1] =	stream.indirect_vreg.gather [hbm4b:s3+s2], $0x80, v4, vm0, $0xb8;
	[tilespmem:$0x10080] =	vst v63  }
0x3b: {  	s10 =	rddreg [dreg:$0xd];
	v3 =	vperm.xlane v3, v2  }
0x3c: {  	[tilespmem:s10], [sflag:$0x1] =	stream.indirect_vreg.gather [hbm4b:s4+s2], $0x80, v4, vm0, $0xb8;
	[tilespmem:$0x10080] =	vst v63  }
0x3d: {  	v3 =	vadd.s32 v1, v3;
	s0 =	rddreg [dreg:$0xe]  }
0x3e: {  	[tilespmem:s0], [sflag:$0x1] =	stream.indirect_vreg.gather [hbm4b:s5+s2], $0x80, v4, vm0, $0xb8;
	[tilespmem:$0x10080] =	vst v63  }
0x3f: {  	s10 =	simm.s32 $0x5880  }
0x40: {  	[tilespmem:s10], [sflag:$0x1] =	stream.indirect_vreg.gather [hbm4b:s6+s2], $0x80, v4, vm0, $0xb8;
	[tilespmem:$0x10080] =	vst v63  }
0x41: {  	_ = 	snop  }
0x42: {  	[tilespmem:s11], [sflag:$0x1] =	stream.indirect_vreg.gather [hbm4b:s3+s2], $0x80, v3, vm0, $0xb8;
	[tilespmem:$0x10080] =	vst v63  }
0x43: {  	_ = 	snop  }
0x44: {  	[tilespmem:s12], [sflag:$0x1] =	stream.indirect_vreg.gather [hbm4b:s4+s2], $0x80, v3, vm0, $0xb8;
	[tilespmem:$0x10080] =	vst v63  }
0x45: {  	_ = 	snop  }
0x46: {  	[tilespmem:s13], [sflag:$0x1] =	stream.indirect_vreg.gather [hbm4b:s5+s2], $0x80, v3, vm0, $0xb8;
	[tilespmem:$0x10080] =	vst v63  }
0x47: {  	_ = 	snop  }
0x48: {  	[tilespmem:s14], [sflag:$0x1] =	stream.indirect_vreg.gather [hbm4b:s6+s2], $0x80, v3, vm0, $0xb8;
	[tilespmem:$0x10080] =	vst v63  }
0x49: {  	v3 =	vld [tilespmem:$0x20];
	_ =	sdelay $0x4  }
0x4a: {  	v62 =	vshll.u32 v3, $0x3  }
0x4b: {  	v3 =	vand.u32 $0x7, v3;
	v4 =	vand.u32 $0xFFFFFFC0, v62  }
0x4c: {  	v3 =	vor.u32 v3, v4  }
0x4d: {  	v4 =	vperm.xlane v3, v0;
	_ =	sdelay $0x1  }
0x4e: {  	v4 =	vadd.s32 v1, v4;
	_ =	sdelay $0x4  }
0x4f: {  	[tilespmem:s15], [sflag:$0x1] =	stream.indirect_vreg.gather [hbm4b:s3+s2], $0x80, v4, vm0, $0xb8;
	[tilespmem:$0x10080] =	vst v63  }
0x50: {  	v3 =	vperm.xlane v3, v2  }
0x51: {  	[tilespmem:s16], [sflag:$0x1] =	stream.indirect_vreg.gather [hbm4b:s4+s2], $0x80, v4, vm0, $0xb8;
	[tilespmem:$0x10080] =	vst v63  }
0x52: {  	v3 =	vadd.s32 v1, v3  }
0x53: {  	[tilespmem:s17], [sflag:$0x1] =	stream.indirect_vreg.gather [hbm4b:s5+s2], $0x80, v4, vm0, $0xb8;
	[tilespmem:$0x10080] =	vst v63  }
0x54: {  	_ = 	snop  }
0x55: {  	[tilespmem:s18], [sflag:$0x1] =	stream.indirect_vreg.gather [hbm4b:s6+s2], $0x80, v4, vm0, $0xb8;
	[tilespmem:$0x10080] =	vst v63  }
0x56: {  	_ = 	snop  }
0x57: {  	[tilespmem:s19], [sflag:$0x1] =	stream.indirect_vreg.gather [hbm4b:s3+s2], $0x80, v3, vm0, $0xb8;
	[tilespmem:$0x10080] =	vst v63  }
0x58: {  	_ = 	snop  }
0x59: {  	[tilespmem:s20], [sflag:$0x1] =	stream.indirect_vreg.gather [hbm4b:s4+s2], $0x80, v3, vm0, $0xb8;
	[tilespmem:$0x10080] =	vst v63  }
0x5a: {  	_ = 	snop  }
0x5b: {  	[tilespmem:s21], [sflag:$0x1] =	stream.indirect_vreg.gather [hbm4b:s5+s2], $0x80, v3, vm0, $0xb8;
	[tilespmem:$0x10080] =	vst v63  }
0x5c: {  	_ = 	snop  }
0x5d: {  	[tilespmem:s22], [sflag:$0x1] =	stream.indirect_vreg.gather [hbm4b:s6+s2], $0x80, v3, vm0, $0xb8;
	[tilespmem:$0x10080] =	vst v63  }
0x5e: {  	v3 =	vld [tilespmem:$0x30];
	_ =	sdelay $0x4  }
0x5f: {  	v63 =	vshll.u32 v3, $0x3  }
0x60: {  	v3 =	vand.u32 $0x7, v3;
	v4 =	vand.u32 $0xFFFFFFC0, v63  }
0x61: {  	v3 =	vor.u32 v3, v4  }
0x62: {  	v4 =	vperm.xlane v3, v0;
	_ =	sdelay $0x1  }
0x63: {  	v4 =	vadd.s32 v1, v4;
	_ =	sdelay $0x4  }
0x64: {  	[tilespmem:s23], [sflag:$0x1] =	stream.indirect_vreg.gather [hbm4b:s3+s2], $0x80, v4, vm0, $0xb8;
	[tilespmem:$0x10080] =	vst v63  }
0x65: {  	v3 =	vperm.xlane v3, v2  }
0x66: {  	[tilespmem:s24], [sflag:$0x1] =	stream.indirect_vreg.gather [hbm4b:s4+s2], $0x80, v4, vm0, $0xb8;
	[tilespmem:$0x10080] =	vst v63  }
0x67: {  	v3 =	vadd.s32 v1, v3  }
0x68: {  	[tilespmem:s25], [sflag:$0x1] =	stream.indirect_vreg.gather [hbm4b:s5+s2], $0x80, v4, vm0, $0xb8;
	[tilespmem:$0x10080] =	vst v63  }
0x69: {  	_ = 	snop  }
0x6a: {  	[tilespmem:s26], [sflag:$0x1] =	stream.indirect_vreg.gather [hbm4b:s6+s2], $0x80, v4, vm0, $0xb8;
	[tilespmem:$0x10080] =	vst v63  }
0x6b: {  	_ = 	snop  }
0x6c: {  	[tilespmem:s28], [sflag:$0x1] =	stream.indirect_vreg.gather [hbm4b:s3+s2], $0x80, v3, vm0, $0xb8;
	[tilespmem:$0x10080] =	vst v63  }
0x6d: {  	_ = 	snop  }
0x6e: {  	[tilespmem:s29], [sflag:$0x1] =	stream.indirect_vreg.gather [hbm4b:s4+s2], $0x80, v3, vm0, $0xb8;
	[tilespmem:$0x10080] =	vst v63  }
0x6f: {  	_ = 	snop  }
0x70: {  	[tilespmem:s30], [sflag:$0x1] =	stream.indirect_vreg.gather [hbm4b:s5+s2], $0x80, v3, vm0, $0xb8;
	[tilespmem:$0x10080] =	vst v63  }
0x71: {  	_ = 	snop  }
0x72: {  	[tilespmem:s31], [sflag:$0x1] =	stream.indirect_vreg.gather [hbm4b:s6+s2], $0x80, v3, vm0, $0xb8;
	[tilespmem:$0x10080] =	vst v63  }
0x73: {  	_ =	swait.ge [sflag:s1], $0x10000  }
0x74: {  	p0 =	sne.s32 s7, $0x1;
	[sflag:s1] =	ssyncset.done $0x0  }
.Ltmp0:
0x75: {  	s10 =	rddreg [dreg:$0x4];
	[sflag:s1] =	ssyncadd.s32 $0xFFFF0000;
	(pc) =	sbr.rel @p0 .LBB2_1-.Ltmp0, $4  }
0x76: {  	[hbm4b:s10+s2] =	stream.linear.scatter [tilespmem:s9], [sflag:$0x2], $0x10000, $0x38;
	[tilespmem:$0x10080] =	vst v63  }
0x77: {  	_ =	swait.ge [sflag:s8], $0x10000  }
0x78: {  	[sflag:s8] =	ssyncset.done $0x0  }
0x79: {  	s7 =	sadd.s32 $0xFFFFFFFF, s7;
	[sflag:s8] =	ssyncadd.s32 $0xFFFF0000  }
0x7a: {  	_ =	sfence.sel $0x180000  }
0x7b: {  	[bflag:$0x0] =	sbarrier.arrive $0xFFFF  }
0x7c: {  	_ =	strace $0x9000004D  }
0x7d: {  	s0 =	stileid.u32;
	[bflag:$0x2] =	sbarrier.arrive $0xFFFF  }
0x7e: {  	p0 =	sne.s32 s0, $0x0;
	s0 =	rddreg [dreg:$0x2]  }
0x7f: {  	s0 =	sadd.s32 @!p0 $0x100000, s0  }
0x80: {  	[sflag:s0] =	ssyncadd.tile.s32 @!p0 $0x1;
	_ =	shalt  }
.Lfunc_end2:
_tile_overlayer_lowered:
.L_overlay_start_2:
0x81: {  	(tag) =	ssettag $0x2  }
0x82: {  	s0 =	rddreg [dreg:$0x0];
	s2 =	stileid.u32  }
0x83: {  	s1 =	rddreg [dreg:$0x1];
	p0 =	sne.s32 s2, $0x0  }
0x84: {  	s3 =	rddreg [dreg:$0x2];
	[bflag:$0x3] =	sbarrier.arrive $0xFFFF;
	s2 =	simm.s32 @!p0 $0x1C02  }
0x85: {  	[timem:s3], [sflag:s2] =	dma.local @!p0 [hbm:s0], s1  }
0x86: {  	s0 =	simm.s32 @!p0 $0x2  }
0x87: {  	_ =	swait.ge @!p0 [sflag:s0], s1  }
0x88: {  	s1 =	ssub.s32 @!p0 $0x0, s1;
	[sflag:s0] =	ssyncset.done @!p0 $0x0  }
0x89: {  	[sflag:s0] =	ssyncadd.s32 @!p0 s1  }
0x8a: {  	[bflag:$0x3] =	sbarrier.arrive $0xFFFF  }
0x8b: {  	_ =	shalt  }

</sc_bundles>
